<compile_context>
chip_gen: v7x
topology: tpu7x:2x2x1
jax: 0.10.2.dev20260603
libtpu: 0.0.44.dev20260713+nightly
codegen_flags: <defaults>
</compile_context>

<pallas_src>
import jax
import jax.numpy as jnp
from jax import lax
from jax.experimental import pallas as pl
from jax.experimental.pallas import tpu as pltpu
from jax.experimental.pallas import tpu_sc as plsc

VOCAB = 1000
D_MODEL = 64
SEQ = 50
LANES = 16
BLK = 128
NUM_CORES = 2
NUM_SUBCORES = 16
NUM_WORKERS = NUM_CORES * NUM_SUBCORES
NBLK = 1024 // BLK
NQ = NUM_WORKERS // NBLK
TMAX = 14


def _transpose_block(slot, staging, iota16):
    rowvecs = [iota16 + (bb * LANES) for bb in range(BLK // LANES)]

    @plsc.parallel_loop(0, LANES, unroll=4)
    def _body(k):
        perm = (iota16 + k) & (LANES - 1)
        for dc in range(D_MODEL // LANES):
            colvec = perm + (dc * LANES)
            for rowvec in rowvecs:
                val = plsc.load_gather(slot, [rowvec, colvec])
                plsc.store_scatter(staging, [colvec, rowvec], val)


def _emb_body(idx_hbm, table_hbm, out_hbm, idx_v, shared_tab, slot_a, slot_b,
              stg_a, stg_b, gsem, osem):
    sid = lax.axis_index("s")
    wid = sid * NUM_CORES + lax.axis_index("c")
    m = wid % NBLK
    q = wid // NBLK
    s_start = q * 13 - jnp.maximum(0, q - 2)
    count = jnp.where(q >= 2, 12, 13)
    iota16 = lax.iota(jnp.int32, LANES)

    @pl.when(sid == 0)
    def _stage_table():
        pltpu.sync_copy(table_hbm, shared_tab)

    pltpu.sync_copy(idx_hbm.at[:, m], idx_v)
    plsc.subcore_barrier()

    def gather(t, slot):
        return pltpu.async_copy(shared_tab.at[idx_v.at[s_start + t]], slot, gsem)

    def drain_gather():
        pltpu.make_async_copy(table_hbm.at[pl.ds(0, BLK)], slot_a, gsem).wait()

    def put(t, stg):
        off = pl.multiple_of(m * BLK, BLK)
        return pltpu.async_copy(
            stg, out_hbm.at[s_start + t, :, pl.ds(off, BLK)], osem
        )

    def drain_put():
        pltpu.make_async_copy(
            table_hbm.at[pl.ds(0, D_MODEL)], stg_a, osem
        ).wait()

    gather(0, slot_a)
    gather(1, slot_b)

    def body(k, carry):
        for t, slot, stg in ((2 * k, slot_a, stg_a), (2 * k + 1, slot_b, stg_b)):
            valid = t < count

            @pl.when(valid)
            def _drain(t=t):
                drain_gather()

            @pl.when(valid & (t >= 2))
            def _free_stage():
                drain_put()

            @pl.when(valid)
            def _work(t=t, slot=slot, stg=stg):
                _transpose_block(slot, stg, iota16)
                put(t, stg)

            nt = t + 2

            @pl.when(nt < count)
            def _prefetch(nt=nt, slot=slot):
                gather(nt, slot)
        return carry

    lax.fori_loop(0, TMAX // 2, body, 0)
    drain_put()
    drain_put()


def kernel(token_ids, w):
    nxt = jnp.concatenate([w[1:], jnp.zeros((1, D_MODEL), w.dtype)], axis=0)
    table2 = jnp.concatenate([w, nxt], axis=1)
    ids_sdb = token_ids.T.reshape(SEQ, NBLK, BLK)
    grab = pl.kernel(
        _emb_body,
        out_type=jax.ShapeDtypeStruct((SEQ, D_MODEL, 1024), jnp.float32),
        mesh=plsc.VectorSubcoreMesh(
            core_axis_name="c",
            subcore_axis_name="s",
            num_cores=NUM_CORES,
            num_subcores=NUM_SUBCORES,
        ),
        scratch_types=[
            pltpu.VMEM((SEQ, BLK), jnp.int32),
            pltpu.VMEM_SHARED((VOCAB, 2 * D_MODEL), jnp.float32),
            pltpu.VMEM((BLK, 2 * D_MODEL), jnp.float32),
            pltpu.VMEM((BLK, 2 * D_MODEL), jnp.float32),
            pltpu.VMEM((D_MODEL, BLK), jnp.float32),
            pltpu.VMEM((D_MODEL, BLK), jnp.float32),
            pltpu.SemaphoreType.DMA,
            pltpu.SemaphoreType.DMA,
        ],
        compiler_params=pltpu.CompilerParams(
            use_tc_tiling_on_sc=True,
            needs_layout_passes=False,
        ),
    )
    out = grab(ids_sdb, table2)
    return jnp.transpose(out, (2, 0, 1))

# --- scband reference (transcript-rebuilt; emitter-appended) ---
"""Pipeline reference for scband-embedding-20040317403544 (READ-ONLY COPY).

The authoritative reference and input builder live on the scoring server;
editing this copy changes nothing except your own understanding.
"""

import jax, jax.numpy as jnp
import numpy as np

VOCAB = 1000
D_MODEL = 64


def setup_inputs(seed: int = 0) -> dict:
    key = jax.random.key(seed)
    k1, k2 = jax.random.split(key)
    token_ids = jax.random.randint(k1, (1024, 50), 0, VOCAB, dtype=jnp.int64 if jax.config.jax_enable_x64 else jnp.int32).astype(jnp.int32)
    # trunc_normal(mean=0, std=1, a=-3, b=3) approximated by clipped normal
    w = jnp.clip(jax.random.normal(k2, (VOCAB, D_MODEL), dtype=jnp.float32), -3.0, 3.0)
    return {"token_ids": token_ids, "w": w}


def reference(token_ids, w):
    # Faithful translation: one-hot construction followed by einsum matmul
    token_ids_expanded = token_ids[:, :, None]                      # b s 1
    class_values_expanded = jnp.arange(VOCAB)[None, None, :]        # 1 1 v
    one_hot_matrix = (token_ids_expanded == class_values_expanded).astype(jnp.float32)  # b s v
    out = jnp.einsum('bsv,vd->bsd', one_hot_matrix, w)              # b s d_model
    return out

if __name__ == "__main__":
    import jax
    _d = setup_inputs()
    print(jax.jit(kernel)(*tuple(_d.values())))

</pallas_src>

<mosaic_0001>
#map = affine_map<(d0, d1) -> (0, 0, 0)>
#map1 = affine_map<(d0, d1) -> (0, 0)>
module attributes {stable_mosaic.version = 14 : i64} {
  func.func @_emb_body(%arg0: i32, %arg1: i32, %arg2: memref<50x8x128xi32, #tpu.memory_space<hbm>>, %arg3: memref<1000x128xf32, #tpu.memory_space<hbm>>, %arg4: memref<50x64x1024xf32, #tpu.memory_space<hbm>>, %arg5: memref<50x128xi32, #tpu.memory_space<vmem>>, %arg6: memref<1000x128xf32, #tpu.memory_space<vmem_shared>>, %arg7: memref<128x128xf32, #tpu.memory_space<vmem>>, %arg8: memref<128x128xf32, #tpu.memory_space<vmem>>, %arg9: memref<64x128xf32, #tpu.memory_space<vmem>>, %arg10: memref<64x128xf32, #tpu.memory_space<vmem>>, %arg11: memref<!tpu.dma_semaphore, #tpu.memory_space<semaphore_mem>>, %arg12: memref<!tpu.dma_semaphore, #tpu.memory_space<semaphore_mem>>) attributes {dimension_semantics = [#tpu.dimension_semantics<core_parallel>, #tpu.dimension_semantics<subcore_parallel>], iteration_bounds = array<i64: 2, 16>, scalar_prefetch = 0 : i64, scratch_operands = 8 : i64, tpu.core_type = #tpu.core_type<sc_vector_subcore>, window_params = [{transform_indices = #map}, {transform_indices = #map1}, {transform_indices = #map}]} {
    %mul3A = arith.constant 2 : i32
    %mul3A_0 = arith.muli %arg1, %mul3A : i32
    %add3A = arith.addi %mul3A_0, %arg0 : i32
    %jit3A = arith.constant 8 : i32
    %eq3A = arith.constant 0 : i32
    %eq3A_1 = arith.cmpi eq, %jit3A, %eq3A : i32
    %jit3A_2 = arith.constant 1 : i32
    %select_n3A = arith.select %eq3A_1, %jit3A_2, %jit3A : i32
    %rem3A = arith.remsi %add3A, %select_n3A : i32
    %ne3A = arith.constant 0 : i32
    %ne3A_3 = arith.cmpi ne, %rem3A, %ne3A : i32
    %lt3A = arith.constant 0 : i32
    %lt3A_4 = arith.cmpi slt, %rem3A, %lt3A : i32
    %lt3A_5 = arith.constant 0 : i32
    %lt3A_6 = arith.cmpi slt, %select_n3A, %lt3A_5 : i32
    %ne3A_7 = arith.xori %lt3A_4, %lt3A_6 : i1
    %and3A = arith.andi %ne3A_7, %ne3A_3 : i1
    %add3A_8 = arith.addi %rem3A, %select_n3A : i32
    %select_n3A_9 = arith.select %and3A, %add3A_8, %rem3A : i32
    %jit3A_10 = arith.constant 8 : i32
    %div3A = arith.divsi %add3A, %jit3A_10 : i32
    %sign3A = arith.constant 0 : i32
    %sign3A_11 = arith.cmpi sgt, %add3A, %sign3A : i32
    %sign3A_12 = arith.extui %sign3A_11 : i1 to i32
    %sign3A_13 = arith.constant 0 : i32
    %sign3A_14 = arith.cmpi slt, %add3A, %sign3A_13 : i32
    %sign3A_15 = arith.extui %sign3A_14 : i1 to i32
    %sign3A_16 = arith.subi %sign3A_12, %sign3A_15 : i32
    %sign3A_17 = arith.constant 0 : i32
    %sign3A_18 = arith.cmpi sgt, %jit3A_10, %sign3A_17 : i32
    %sign3A_19 = arith.extui %sign3A_18 : i1 to i32
    %sign3A_20 = arith.constant 0 : i32
    %sign3A_21 = arith.cmpi slt, %jit3A_10, %sign3A_20 : i32
    %sign3A_22 = arith.extui %sign3A_21 : i1 to i32
    %sign3A_23 = arith.subi %sign3A_19, %sign3A_22 : i32
    %ne3A_24 = arith.cmpi ne, %sign3A_16, %sign3A_23 : i32
    %rem3A_25 = arith.remsi %add3A, %jit3A_10 : i32
    %ne3A_26 = arith.constant 0 : i32
    %ne3A_27 = arith.cmpi ne, %rem3A_25, %ne3A_26 : i32
    %and3A_28 = arith.andi %ne3A_24, %ne3A_27 : i1
    %sub3A = arith.constant 1 : i32
    %sub3A_29 = arith.subi %div3A, %sub3A : i32
    %select_n3A_30 = arith.select %and3A_28, %sub3A_29, %div3A : i32
    %mul3A_31 = arith.constant 13 : i32
    %mul3A_32 = arith.muli %select_n3A_30, %mul3A_31 : i32
    %sub3A_33 = arith.constant 2 : i32
    %sub3A_34 = arith.subi %select_n3A_30, %sub3A_33 : i32
    %max3A = arith.constant 0 : i32
    %max3A_35 = arith.maxsi %max3A, %sub3A_34 : i32
    %sub3A_36 = arith.subi %mul3A_32, %max3A_35 : i32
    %ge3A = arith.constant 2 : i32
    %ge3A_37 = arith.cmpi sge, %select_n3A_30, %ge3A : i32
    %jit3A_38 = arith.constant 12 : i32
    %jit3A_39 = arith.constant 13 : i32
    %select_n3A_40 = arith.select %ge3A_37, %jit3A_38, %jit3A_39 : i32
    %iota3A = tpu.iota {dimensions = array<i32: 0>} : vector<16xi32>
    %eq3A_41 = arith.constant 0 : i32
    %eq3A_42 = arith.cmpi eq, %arg1, %eq3A_41 : i32
    %convert_element_type3A = arith.extui %eq3A_42 : i1 to i32
    %cond3A = arith.constant 0 : i32
    %cond3A_43 = arith.cmpi ne, %convert_element_type3A, %cond3A : i32
    scf.if %cond3A_43 {
      "tpu.region"() ({
        %run_scoped3A = tpu.sem_alloc : memref<!tpu.dma_semaphore, #tpu.memory_space<semaphore_mem>>
        tpu.enqueue_dma source(%arg3 : memref<1000x128xf32, #tpu.memory_space<hbm>>) target(%arg6 : memref<1000x128xf32, #tpu.memory_space<vmem_shared>>) target_semaphore(%run_scoped3A : memref<!tpu.dma_semaphore, #tpu.memory_space<semaphore_mem>>)
        tpu.wait_dma2 semaphore(%run_scoped3A : memref<!tpu.dma_semaphore, #tpu.memory_space<semaphore_mem>>) src(%arg3 : memref<1000x128xf32, #tpu.memory_space<hbm>>) dst(%arg6 : memref<1000x128xf32, #tpu.memory_space<vmem_shared>>)
        tpu.yield
      }) : () -> ()
    } else {
    }
    "tpu.region"() ({
      %run_scoped3A = tpu.sem_alloc : memref<!tpu.dma_semaphore, #tpu.memory_space<semaphore_mem>>
      %dma_start3A_75 = arith.constant 0 : i32
      %dma_start3A_76 = arith.constant 0 : i32
      %dma_start3A_77 = tpu.memref_slice %arg2[%dma_start3A_75, %select_n3A_9, %dma_start3A_76] : memref<50x8x128xi32, #tpu.memory_space<hbm>> -> memref<50x1x128xi32, #tpu.memory_space<hbm>>
      %dma_start3A_78 = tpu.memref_squeeze %dma_start3A_77 : memref<50x1x128xi32, #tpu.memory_space<hbm>> -> memref<50x128xi32, #tpu.memory_space<hbm>>
      %dma_start3A_79 = arith.constant 0 : i32
      %dma_start3A_80 = arith.constant 0 : i32
      %dma_start3A_81 = tpu.memref_slice %arg2[%dma_start3A_79, %select_n3A_9, %dma_start3A_80] : memref<50x8x128xi32, #tpu.memory_space<hbm>> -> memref<50x1x128xi32, #tpu.memory_space<hbm>>
      %dma_start3A_82 = tpu.memref_squeeze %dma_start3A_81 : memref<50x1x128xi32, #tpu.memory_space<hbm>> -> memref<50x128xi32, #tpu.memory_space<hbm>>
      tpu.enqueue_dma source(%dma_start3A_82 : memref<50x128xi32, #tpu.memory_space<hbm>>) target(%arg5 : memref<50x128xi32, #tpu.memory_space<vmem>>) target_semaphore(%run_scoped3A : memref<!tpu.dma_semaphore, #tpu.memory_space<semaphore_mem>>)
      %dma_wait3A_83 = arith.constant 0 : i32
      %dma_wait3A_84 = arith.constant 0 : i32
      %dma_wait3A_85 = tpu.memref_slice %arg2[%dma_wait3A_83, %select_n3A_9, %dma_wait3A_84] : memref<50x8x128xi32, #tpu.memory_space<hbm>> -> memref<50x1x128xi32, #tpu.memory_space<hbm>>
      %dma_wait3A_86 = tpu.memref_squeeze %dma_wait3A_85 : memref<50x1x128xi32, #tpu.memory_space<hbm>> -> memref<50x128xi32, #tpu.memory_space<hbm>>
      %dma_wait3A_87 = arith.constant 0 : i32
      %dma_wait3A_88 = arith.constant 0 : i32
      %dma_wait3A_89 = tpu.memref_slice %arg2[%dma_wait3A_87, %select_n3A_9, %dma_wait3A_88] : memref<50x8x128xi32, #tpu.memory_space<hbm>> -> memref<50x1x128xi32, #tpu.memory_space<hbm>>
      %dma_wait3A_90 = tpu.memref_squeeze %dma_wait3A_89 : memref<50x1x128xi32, #tpu.memory_space<hbm>> -> memref<50x128xi32, #tpu.memory_space<hbm>>
      tpu.wait_dma2 semaphore(%run_scoped3A : memref<!tpu.dma_semaphore, #tpu.memory_space<semaphore_mem>>) src(%dma_wait3A_90 : memref<50x128xi32, #tpu.memory_space<hbm>>) dst(%arg5 : memref<50x128xi32, #tpu.memory_space<vmem>>)
      tpu.yield
    }) : () -> ()
    %barrier3A = arith.constant 0 : index
    tpu.barrier barrier_id(%barrier3A)
    %add3A_44 = arith.constant 0 : i32
    %add3A_45 = arith.addi %sub3A_36, %add3A_44 : i32
    %dma_start3A = arith.constant 0 : i32
    %dma_start3A_46 = tpu.memref_slice %arg5[%add3A_45, %dma_start3A] : memref<50x128xi32, #tpu.memory_space<vmem>> -> memref<1x128xi32, #tpu.memory_space<vmem>>
    %dma_start3A_47 = tpu.memref_squeeze %dma_start3A_46 : memref<1x128xi32, #tpu.memory_space<vmem>> -> memref<128xi32, #tpu.memory_space<vmem>>
    %dma_start3A_48 = arith.constant 0 : i32
    %dma_start3A_49 = arith.constant 0 : i32
    %dma_start3A_50 = tpu.memref_slice %arg6[%dma_start3A_48, %dma_start3A_49] : memref<1000x128xf32, #tpu.memory_space<vmem_shared>> -> memref<1000x128xf32, #tpu.memory_space<vmem_shared>>
    tpu.enqueue_indirect_dma source(%dma_start3A_50 : memref<1000x128xf32, #tpu.memory_space<vmem_shared>>) target(%arg7 : memref<128x128xf32, #tpu.memory_space<vmem>>) offsets(%dma_start3A_47 : memref<128xi32, #tpu.memory_space<vmem>>) semaphore(%arg11 : memref<!tpu.dma_semaphore, #tpu.memory_space<semaphore_mem>>)
    %add3A_51 = arith.constant 1 : i32
    %add3A_52 = arith.addi %sub3A_36, %add3A_51 : i32
    %dma_start3A_53 = arith.constant 0 : i32
    %dma_start3A_54 = tpu.memref_slice %arg5[%add3A_52, %dma_start3A_53] : memref<50x128xi32, #tpu.memory_space<vmem>> -> memref<1x128xi32, #tpu.memory_space<vmem>>
    %dma_start3A_55 = tpu.memref_squeeze %dma_start3A_54 : memref<1x128xi32, #tpu.memory_space<vmem>> -> memref<128xi32, #tpu.memory_space<vmem>>
    %dma_start3A_56 = arith.constant 0 : i32
    %dma_start3A_57 = arith.constant 0 : i32
    %dma_start3A_58 = tpu.memref_slice %arg6[%dma_start3A_56, %dma_start3A_57] : memref<1000x128xf32, #tpu.memory_space<vmem_shared>> -> memref<1000x128xf32, #tpu.memory_space<vmem_shared>>
    tpu.enqueue_indirect_dma source(%dma_start3A_58 : memref<1000x128xf32, #tpu.memory_space<vmem_shared>>) target(%arg8 : memref<128x128xf32, #tpu.memory_space<vmem>>) offsets(%dma_start3A_55 : memref<128xi32, #tpu.memory_space<vmem>>) semaphore(%arg11 : memref<!tpu.dma_semaphore, #tpu.memory_space<semaphore_mem>>)
    %scan3A = arith.constant 0 : i32
    %scan3A_59 = arith.constant 0 : i32
    %scan3A_60 = arith.constant 7 : i32
    %scan3A_61 = arith.addi %scan3A_59, %scan3A_60 : i32
    %scan3A_62 = arith.constant 1 : i32
    scf.for %scan3A_75 = %scan3A_59 to %scan3A_61 step %scan3A_62  : i32 {
      %mul3A_76 = arith.constant 2 : i32
      %mul3A_77 = arith.muli %mul3A_76, %scan3A_75 : i32
      %mul3A_78 = arith.constant 2 : i32
      %mul3A_79 = arith.muli %mul3A_78, %scan3A_75 : i32
      %add3A_80 = arith.constant 1 : i32
      %add3A_81 = arith.addi %mul3A_79, %add3A_80 : i32
      %lt3A_82 = arith.cmpi slt, %mul3A_77, %select_n3A_40 : i32
      %convert_element_type3A_83 = arith.extui %lt3A_82 : i1 to i32
      %cond3A_84 = arith.constant 0 : i32
      %cond3A_85 = arith.cmpi ne, %convert_element_type3A_83, %cond3A_84 : i32
      scf.if %cond3A_85 {
        %dma_wait3A_120 = arith.constant 0 : i32
        %dma_wait3A_121 = arith.constant 0 : i32
        %dma_wait3A_122 = tpu.memref_slice %arg3[%dma_wait3A_120, %dma_wait3A_121] : memref<1000x128xf32, #tpu.memory_space<hbm>> -> memref<128x128xf32, #tpu.memory_space<hbm>>
        %dma_wait3A_123 = arith.constant 0 : i32
        %dma_wait3A_124 = arith.constant 0 : i32
        %dma_wait3A_125 = tpu.memref_slice %arg3[%dma_wait3A_123, %dma_wait3A_124] : memref<1000x128xf32, #tpu.memory_space<hbm>> -> memref<128x128xf32, #tpu.memory_space<hbm>>
        tpu.wait_dma2 semaphore(%arg11 : memref<!tpu.dma_semaphore, #tpu.memory_space<semaphore_mem>>) src(%dma_wait3A_125 : memref<128x128xf32, #tpu.memory_space<hbm>>) dst(%arg7 : memref<128x128xf32, #tpu.memory_space<vmem>>)
      } else {
      }
      %ge3A_86 = arith.constant 2 : i32
      %ge3A_87 = arith.cmpi sge, %mul3A_77, %ge3A_86 : i32
      %and3A_88 = arith.andi %lt3A_82, %ge3A_87 : i1
      %convert_element_type3A_89 = arith.extui %and3A_88 : i1 to i32
      %cond3A_90 = arith.constant 0 : i32
      %cond3A_91 = arith.cmpi ne, %convert_element_type3A_89, %cond3A_90 : i32
      scf.if %cond3A_91 {
        %dma_wait3A_120 = arith.constant 0 : i32
        %dma_wait3A_121 = arith.constant 0 : i32
        %dma_wait3A_122 = tpu.memref_slice %arg3[%dma_wait3A_120, %dma_wait3A_121] : memref<1000x128xf32, #tpu.memory_space<hbm>> -> memref<64x128xf32, #tpu.memory_space<hbm>>
        %dma_wait3A_123 = arith.constant 0 : i32
        %dma_wait3A_124 = arith.constant 0 : i32
        %dma_wait3A_125 = tpu.memref_slice %arg3[%dma_wait3A_123, %dma_wait3A_124] : memref<1000x128xf32, #tpu.memory_space<hbm>> -> memref<64x128xf32, #tpu.memory_space<hbm>>
        tpu.wait_dma2 semaphore(%arg12 : memref<!tpu.dma_semaphore, #tpu.memory_space<semaphore_mem>>) src(%dma_wait3A_125 : memref<64x128xf32, #tpu.memory_space<hbm>>) dst(%arg9 : memref<64x128xf32, #tpu.memory_space<vmem>>)
      } else {
      }
      %convert_element_type3A_92 = arith.extui %lt3A_82 : i1 to i32
      %cond3A_93 = arith.constant 0 : i32
      %cond3A_94 = arith.cmpi ne, %convert_element_type3A_92, %cond3A_93 : i32
      scf.if %cond3A_94 {
        %add3A_120 = arith.constant 0 : i32
        %add3A_121 = vector.broadcast %add3A_120 : i32 to vector<16xi32>
        %add3A_122 = arith.addi %iota3A, %add3A_121 : vector<16xi32>
        %add3A_123 = arith.constant 16 : i32
        %add3A_124 = vector.broadcast %add3A_123 : i32 to vector<16xi32>
        %add3A_125 = arith.addi %iota3A, %add3A_124 : vector<16xi32>
        %add3A_126 = arith.constant 32 : i32
        %add3A_127 = vector.broadcast %add3A_126 : i32 to vector<16xi32>
        %add3A_128 = arith.addi %iota3A, %add3A_127 : vector<16xi32>
        %add3A_129 = arith.constant 48 : i32
        %add3A_130 = vector.broadcast %add3A_129 : i32 to vector<16xi32>
        %add3A_131 = arith.addi %iota3A, %add3A_130 : vector<16xi32>
        %add3A_132 = arith.constant 64 : i32
        %add3A_133 = vector.broadcast %add3A_132 : i32 to vector<16xi32>
        %add3A_134 = arith.addi %iota3A, %add3A_133 : vector<16xi32>
        %add3A_135 = arith.constant 80 : i32
        %add3A_136 = vector.broadcast %add3A_135 : i32 to vector<16xi32>
        %add3A_137 = arith.addi %iota3A, %add3A_136 : vector<16xi32>
        %add3A_138 = arith.constant 96 : i32
        %add3A_139 = vector.broadcast %add3A_138 : i32 to vector<16xi32>
        %add3A_140 = arith.addi %iota3A, %add3A_139 : vector<16xi32>
        %add3A_141 = arith.constant 112 : i32
        %add3A_142 = vector.broadcast %add3A_141 : i32 to vector<16xi32>
        %add3A_143 = arith.addi %iota3A, %add3A_142 : vector<16xi32>
        %parallel_loop3A = arith.constant 0 : i32
        %parallel_loop3A_144 = arith.constant 16 : i32
        %parallel_loop3A_145 = arith.constant 1 : i32
        scf.for %parallel_loop3A_155 = %parallel_loop3A to %parallel_loop3A_144 step %parallel_loop3A_145  : i32 {
          %parallel_loop3A_156 = vector.broadcast %parallel_loop3A_155 : i32 to vector<16xi32>
          %parallel_loop3A_157 = arith.addi %iota3A, %parallel_loop3A_156 : vector<16xi32>
          %parallel_loop3A_158 = arith.constant 15 : i32
          %parallel_loop3A_159 = vector.broadcast %parallel_loop3A_158 : i32 to vector<16xi32>
          %parallel_loop3A_160 = arith.andi %parallel_loop3A_157, %parallel_loop3A_159 : vector<16xi32>
          %parallel_loop3A_161 = arith.constant 0 : i32
          %parallel_loop3A_162 = vector.broadcast %parallel_loop3A_161 : i32 to vector<16xi32>
          %parallel_loop3A_163 = arith.addi %parallel_loop3A_160, %parallel_loop3A_162 : vector<16xi32>
          %parallel_loop3A_164 = tpu.vector_load_idx %arg7[%add3A_122, %parallel_loop3A_163] : memref<128x128xf32, #tpu.memory_space<vmem>>[vector<16xi32>, vector<16xi32>], vector<16xf32>,
          tpu.vector_store_idx %arg9[%parallel_loop3A_163, %add3A_122], %parallel_loop3A_164 : memref<64x128xf32, #tpu.memory_space<vmem>>[vector<16xi32>, vector<16xi32>], vector<16xf32>,
          %parallel_loop3A_165 = tpu.vector_load_idx %arg7[%add3A_125, %parallel_loop3A_163] : memref<128x128xf32, #tpu.memory_space<vmem>>[vector<16xi32>, vector<16xi32>], vector<16xf32>,
          tpu.vector_store_idx %arg9[%parallel_loop3A_163, %add3A_125], %parallel_loop3A_165 : memref<64x128xf32, #tpu.memory_space<vmem>>[vector<16xi32>, vector<16xi32>], vector<16xf32>,
          %parallel_loop3A_166 = tpu.vector_load_idx %arg7[%add3A_128, %parallel_loop3A_163] : memref<128x128xf32, #tpu.memory_space<vmem>>[vector<16xi32>, vector<16xi32>], vector<16xf32>,
          tpu.vector_store_idx %arg9[%parallel_loop3A_163, %add3A_128], %parallel_loop3A_166 : memref<64x128xf32, #tpu.memory_space<vmem>>[vector<16xi32>, vector<16xi32>], vector<16xf32>,
          %parallel_loop3A_167 = tpu.vector_load_idx %arg7[%add3A_131, %parallel_loop3A_163] : memref<128x128xf32, #tpu.memory_space<vmem>>[vector<16xi32>, vector<16xi32>], vector<16xf32>,
          tpu.vector_store_idx %arg9[%parallel_loop3A_163, %add3A_131], %parallel_loop3A_167 : memref<64x128xf32, #tpu.memory_space<vmem>>[vector<16xi32>, vector<16xi32>], vector<16xf32>,
          %parallel_loop3A_168 = tpu.vector_load_idx %arg7[%add3A_134, %parallel_loop3A_163] : memref<128x128xf32, #tpu.memory_space<vmem>>[vector<16xi32>, vector<16xi32>], vector<16xf32>,
          tpu.vector_store_idx %arg9[%parallel_loop3A_163, %add3A_134], %parallel_loop3A_168 : memref<64x128xf32, #tpu.memory_space<vmem>>[vector<16xi32>, vector<16xi32>], vector<16xf32>,
          %parallel_loop3A_169 = tpu.vector_load_idx %arg7[%add3A_137, %parallel_loop3A_163] : memref<128x128xf32, #tpu.memory_space<vmem>>[vector<16xi32>, vector<16xi32>], vector<16xf32>,
          tpu.vector_store_idx %arg9[%parallel_loop3A_163, %add3A_137], %parallel_loop3A_169 : memref<64x128xf32, #tpu.memory_space<vmem>>[vector<16xi32>, vector<16xi32>], vector<16xf32>,
          %parallel_loop3A_170 = tpu.vector_load_idx %arg7[%add3A_140, %parallel_loop3A_163] : memref<128x128xf32, #tpu.memory_space<vmem>>[vector<16xi32>, vector<16xi32>], vector<16xf32>,
          tpu.vector_store_idx %arg9[%parallel_loop3A_163, %add3A_140], %parallel_loop3A_170 : memref<64x128xf32, #tpu.memory_space<vmem>>[vector<16xi32>, vector<16xi32>], vector<16xf32>,
          %parallel_loop3A_171 = tpu.vector_load_idx %arg7[%add3A_143, %parallel_loop3A_163] : memref<128x128xf32, #tpu.memory_space<vmem>>[vector<16xi32>, vector<16xi32>], vector<16xf32>,
          tpu.vector_store_idx %arg9[%parallel_loop3A_163, %add3A_143], %parallel_loop3A_171 : memref<64x128xf32, #tpu.memory_space<vmem>>[vector<16xi32>, vector<16xi32>], vector<16xf32>,
          %parallel_loop3A_172 = arith.constant 16 : i32
          %parallel_loop3A_173 = vector.broadcast %parallel_loop3A_172 : i32 to vector<16xi32>
          %parallel_loop3A_174 = arith.addi %parallel_loop3A_160, %parallel_loop3A_173 : vector<16xi32>
          %parallel_loop3A_175 = tpu.vector_load_idx %arg7[%add3A_122, %parallel_loop3A_174] : memref<128x128xf32, #tpu.memory_space<vmem>>[vector<16xi32>, vector<16xi32>], vector<16xf32>,
          tpu.vector_store_idx %arg9[%parallel_loop3A_174, %add3A_122], %parallel_loop3A_175 : memref<64x128xf32, #tpu.memory_space<vmem>>[vector<16xi32>, vector<16xi32>], vector<16xf32>,
          %parallel_loop3A_176 = tpu.vector_load_idx %arg7[%add3A_125, %parallel_loop3A_174] : memref<128x128xf32, #tpu.memory_space<vmem>>[vector<16xi32>, vector<16xi32>], vector<16xf32>,
          tpu.vector_store_idx %arg9[%parallel_loop3A_174, %add3A_125], %parallel_loop3A_176 : memref<64x128xf32, #tpu.memory_space<vmem>>[vector<16xi32>, vector<16xi32>], vector<16xf32>,
          %parallel_loop3A_177 = tpu.vector_load_idx %arg7[%add3A_128, %parallel_loop3A_174] : memref<128x128xf32, #tpu.memory_space<vmem>>[vector<16xi32>, vector<16xi32>], vector<16xf32>,
          tpu.vector_store_idx %arg9[%parallel_loop3A_174, %add3A_128], %parallel_loop3A_177 : memref<64x128xf32, #tpu.memory_space<vmem>>[vector<16xi32>, vector<16xi32>], vector<16xf32>,
          %parallel_loop3A_178 = tpu.vector_load_idx %arg7[%add3A_131, %parallel_loop3A_174] : memref<128x128xf32, #tpu.memory_space<vmem>>[vector<16xi32>, vector<16xi32>], vector<16xf32>,
          tpu.vector_store_idx %arg9[%parallel_loop3A_174, %add3A_131], %parallel_loop3A_178 : memref<64x128xf32, #tpu.memory_space<vmem>>[vector<16xi32>, vector<16xi32>], vector<16xf32>,
          %parallel_loop3A_179 = tpu.vector_load_idx %arg7[%add3A_134, %parallel_loop3A_174] : memref<128x128xf32, #tpu.memory_space<vmem>>[vector<16xi32>, vector<16xi32>], vector<16xf32>,
          tpu.vector_store_idx %arg9[%parallel_loop3A_174, %add3A_134], %parallel_loop3A_179 : memref<64x128xf32, #tpu.memory_space<vmem>>[vector<16xi32>, vector<16xi32>], vector<16xf32>,
          %parallel_loop3A_180 = tpu.vector_load_idx %arg7[%add3A_137, %parallel_loop3A_174] : memref<128x128xf32, #tpu.memory_space<vmem>>[vector<16xi32>, vector<16xi32>], vector<16xf32>,
          tpu.vector_store_idx %arg9[%parallel_loop3A_174, %add3A_137], %parallel_loop3A_180 : memref<64x128xf32, #tpu.memory_space<vmem>>[vector<16xi32>, vector<16xi32>], vector<16xf32>,
          %parallel_loop3A_181 = tpu.vector_load_idx %arg7[%add3A_140, %parallel_loop3A_174] : memref<128x128xf32, #tpu.memory_space<vmem>>[vector<16xi32>, vector<16xi32>], vector<16xf32>,
          tpu.vector_store_idx %arg9[%parallel_loop3A_174, %add3A_140], %parallel_loop3A_181 : memref<64x128xf32, #tpu.memory_space<vmem>>[vector<16xi32>, vector<16xi32>], vector<16xf32>,
          %parallel_loop3A_182 = tpu.vector_load_idx %arg7[%add3A_143, %parallel_loop3A_174] : memref<128x128xf32, #tpu.memory_space<vmem>>[vector<16xi32>, vector<16xi32>], vector<16xf32>,
          tpu.vector_store_idx %arg9[%parallel_loop3A_174, %add3A_143], %parallel_loop3A_182 : memref<64x128xf32, #tpu.memory_space<vmem>>[vector<16xi32>, vector<16xi32>], vector<16xf32>,
          %parallel_loop3A_183 = arith.constant 32 : i32
          %parallel_loop3A_184 = vector.broadcast %parallel_loop3A_183 : i32 to vector<16xi32>
          %parallel_loop3A_185 = arith.addi %parallel_loop3A_160, %parallel_loop3A_184 : vector<16xi32>
          %parallel_loop3A_186 = tpu.vector_load_idx %arg7[%add3A_122, %parallel_loop3A_185] : memref<128x128xf32, #tpu.memory_space<vmem>>[vector<16xi32>, vector<16xi32>], vector<16xf32>,
          tpu.vector_store_idx %arg9[%parallel_loop3A_185, %add3A_122], %parallel_loop3A_186 : memref<64x128xf32, #tpu.memory_space<vmem>>[vector<16xi32>, vector<16xi32>], vector<16xf32>,
          %parallel_loop3A_187 = tpu.vector_load_idx %arg7[%add3A_125, %parallel_loop3A_185] : memref<128x128xf32, #tpu.memory_space<vmem>>[vector<16xi32>, vector<16xi32>], vector<16xf32>,
          tpu.vector_store_idx %arg9[%parallel_loop3A_185, %add3A_125], %parallel_loop3A_187 : memref<64x128xf32, #tpu.memory_space<vmem>>[vector<16xi32>, vector<16xi32>], vector<16xf32>,
          %parallel_loop3A_188 = tpu.vector_load_idx %arg7[%add3A_128, %parallel_loop3A_185] : memref<128x128xf32, #tpu.memory_space<vmem>>[vector<16xi32>, vector<16xi32>], vector<16xf32>,
          tpu.vector_store_idx %arg9[%parallel_loop3A_185, %add3A_128], %parallel_loop3A_188 : memref<64x128xf32, #tpu.memory_space<vmem>>[vector<16xi32>, vector<16xi32>], vector<16xf32>,
          %parallel_loop3A_189 = tpu.vector_load_idx %arg7[%add3A_131, %parallel_loop3A_185] : memref<128x128xf32, #tpu.memory_space<vmem>>[vector<16xi32>, vector<16xi32>], vector<16xf32>,
          tpu.vector_store_idx %arg9[%parallel_loop3A_185, %add3A_131], %parallel_loop3A_189 : memref<64x128xf32, #tpu.memory_space<vmem>>[vector<16xi32>, vector<16xi32>], vector<16xf32>,
          %parallel_loop3A_190 = tpu.vector_load_idx %arg7[%add3A_134, %parallel_loop3A_185] : memref<128x128xf32, #tpu.memory_space<vmem>>[vector<16xi32>, vector<16xi32>], vector<16xf32>,
          tpu.vector_store_idx %arg9[%parallel_loop3A_185, %add3A_134], %parallel_loop3A_190 : memref<64x128xf32, #tpu.memory_space<vmem>>[vector<16xi32>, vector<16xi32>], vector<16xf32>,
          %parallel_loop3A_191 = tpu.vector_load_idx %arg7[%add3A_137, %parallel_loop3A_185] : memref<128x128xf32, #tpu.memory_space<vmem>>[vector<16xi32>, vector<16xi32>], vector<16xf32>,
          tpu.vector_store_idx %arg9[%parallel_loop3A_185, %add3A_137], %parallel_loop3A_191 : memref<64x128xf32, #tpu.memory_space<vmem>>[vector<16xi32>, vector<16xi32>], vector<16xf32>,
          %parallel_loop3A_192 = tpu.vector_load_idx %arg7[%add3A_140, %parallel_loop3A_185] : memref<128x128xf32, #tpu.memory_space<vmem>>[vector<16xi32>, vector<16xi32>], vector<16xf32>,
          tpu.vector_store_idx %arg9[%parallel_loop3A_185, %add3A_140], %parallel_loop3A_192 : memref<64x128xf32, #tpu.memory_space<vmem>>[vector<16xi32>, vector<16xi32>], vector<16xf32>,
          %parallel_loop3A_193 = tpu.vector_load_idx %arg7[%add3A_143, %parallel_loop3A_185] : memref<128x128xf32, #tpu.memory_space<vmem>>[vector<16xi32>, vector<16xi32>], vector<16xf32>,
          tpu.vector_store_idx %arg9[%parallel_loop3A_185, %add3A_143], %parallel_loop3A_193 : memref<64x128xf32, #tpu.memory_space<vmem>>[vector<16xi32>, vector<16xi32>], vector<16xf32>,
          %parallel_loop3A_194 = arith.constant 48 : i32
          %parallel_loop3A_195 = vector.broadcast %parallel_loop3A_194 : i32 to vector<16xi32>
          %parallel_loop3A_196 = arith.addi %parallel_loop3A_160, %parallel_loop3A_195 : vector<16xi32>
          %parallel_loop3A_197 = tpu.vector_load_idx %arg7[%add3A_122, %parallel_loop3A_196] : memref<128x128xf32, #tpu.memory_space<vmem>>[vector<16xi32>, vector<16xi32>], vector<16xf32>,
          tpu.vector_store_idx %arg9[%parallel_loop3A_196, %add3A_122], %parallel_loop3A_197 : memref<64x128xf32, #tpu.memory_space<vmem>>[vector<16xi32>, vector<16xi32>], vector<16xf32>,
          %parallel_loop3A_198 = tpu.vector_load_idx %arg7[%add3A_125, %parallel_loop3A_196] : memref<128x128xf32, #tpu.memory_space<vmem>>[vector<16xi32>, vector<16xi32>], vector<16xf32>,
          tpu.vector_store_idx %arg9[%parallel_loop3A_196, %add3A_125], %parallel_loop3A_198 : memref<64x128xf32, #tpu.memory_space<vmem>>[vector<16xi32>, vector<16xi32>], vector<16xf32>,
          %parallel_loop3A_199 = tpu.vector_load_idx %arg7[%add3A_128, %parallel_loop3A_196] : memref<128x128xf32, #tpu.memory_space<vmem>>[vector<16xi32>, vector<16xi32>], vector<16xf32>,
          tpu.vector_store_idx %arg9[%parallel_loop3A_196, %add3A_128], %parallel_loop3A_199 : memref<64x128xf32, #tpu.memory_space<vmem>>[vector<16xi32>, vector<16xi32>], vector<16xf32>,
          %parallel_loop3A_200 = tpu.vector_load_idx %arg7[%add3A_131, %parallel_loop3A_196] : memref<128x128xf32, #tpu.memory_space<vmem>>[vector<16xi32>, vector<16xi32>], vector<16xf32>,
          tpu.vector_store_idx %arg9[%parallel_loop3A_196, %add3A_131], %parallel_loop3A_200 : memref<64x128xf32, #tpu.memory_space<vmem>>[vector<16xi32>, vector<16xi32>], vector<16xf32>,
          %parallel_loop3A_201 = tpu.vector_load_idx %arg7[%add3A_134, %parallel_loop3A_196] : memref<128x128xf32, #tpu.memory_space<vmem>>[vector<16xi32>, vector<16xi32>], vector<16xf32>,
          tpu.vector_store_idx %arg9[%parallel_loop3A_196, %add3A_134], %parallel_loop3A_201 : memref<64x128xf32, #tpu.memory_space<vmem>>[vector<16xi32>, vector<16xi32>], vector<16xf32>,
          %parallel_loop3A_202 = tpu.vector_load_idx %arg7[%add3A_137, %parallel_loop3A_196] : memref<128x128xf32, #tpu.memory_space<vmem>>[vector<16xi32>, vector<16xi32>], vector<16xf32>,
          tpu.vector_store_idx %arg9[%parallel_loop3A_196, %add3A_137], %parallel_loop3A_202 : memref<64x128xf32, #tpu.memory_space<vmem>>[vector<16xi32>, vector<16xi32>], vector<16xf32>,
          %parallel_loop3A_203 = tpu.vector_load_idx %arg7[%add3A_140, %parallel_loop3A_196] : memref<128x128xf32, #tpu.memory_space<vmem>>[vector<16xi32>, vector<16xi32>], vector<16xf32>,
          tpu.vector_store_idx %arg9[%parallel_loop3A_196, %add3A_140], %parallel_loop3A_203 : memref<64x128xf32, #tpu.memory_space<vmem>>[vector<16xi32>, vector<16xi32>], vector<16xf32>,
          %parallel_loop3A_204 = tpu.vector_load_idx %arg7[%add3A_143, %parallel_loop3A_196] : memref<128x128xf32, #tpu.memory_space<vmem>>[vector<16xi32>, vector<16xi32>], vector<16xf32>,
          tpu.vector_store_idx %arg9[%parallel_loop3A_196, %add3A_143], %parallel_loop3A_204 : memref<64x128xf32, #tpu.memory_space<vmem>>[vector<16xi32>, vector<16xi32>], vector<16xf32>,
        } {sc.loop_unroll_factor = 4 : i64, sc.parallel_access}
        %mul3A_146 = arith.constant 128 : i32
        %mul3A_147 = arith.muli %select_n3A_9, %mul3A_146 : i32
        %multiple_of3A = tpu.assume_multiple %mul3A_147, 128 : i32
        %add3A_148 = arith.addi %sub3A_36, %mul3A_77 : i32
        %dma_start3A_149 = arith.constant 0 : i32
        %dma_start3A_150 = tpu.memref_slice %arg4[%add3A_148, %dma_start3A_149, %multiple_of3A] : memref<50x64x1024xf32, #tpu.memory_space<hbm>> -> memref<1x64x128xf32, #tpu.memory_space<hbm>>
        %dma_start3A_151 = tpu.memref_squeeze %dma_start3A_150 : memref<1x64x128xf32, #tpu.memory_space<hbm>> -> memref<64x128xf32, #tpu.memory_space<hbm>>
        %dma_start3A_152 = arith.constant 0 : i32
        %dma_start3A_153 = tpu.memref_slice %arg4[%add3A_148, %dma_start3A_152, %multiple_of3A] : memref<50x64x1024xf32, #tpu.memory_space<hbm>> -> memref<1x64x128xf32, #tpu.memory_space<hbm>>
        %dma_start3A_154 = tpu.memref_squeeze %dma_start3A_153 : memref<1x64x128xf32, #tpu.memory_space<hbm>> -> memref<64x128xf32, #tpu.memory_space<hbm>>
        tpu.enqueue_dma source(%arg9 : memref<64x128xf32, #tpu.memory_space<vmem>>) target(%dma_start3A_154 : memref<64x128xf32, #tpu.memory_space<hbm>>) target_semaphore(%arg12 : memref<!tpu.dma_semaphore, #tpu.memory_space<semaphore_mem>>)
      } else {
      }
      %add3A_95 = arith.constant 2 : i32
      %add3A_96 = arith.addi %mul3A_77, %add3A_95 : i32
      %lt3A_97 = arith.cmpi slt, %add3A_96, %select_n3A_40 : i32
      %convert_element_type3A_98 = arith.extui %lt3A_97 : i1 to i32
      %cond3A_99 = arith.constant 0 : i32
      %cond3A_100 = arith.cmpi ne, %convert_element_type3A_98, %cond3A_99 : i32
      scf.if %cond3A_100 {
        %add3A_120 = arith.addi %sub3A_36, %add3A_96 : i32
        %dma_start3A_121 = arith.constant 0 : i32
        %dma_start3A_122 = tpu.memref_slice %arg5[%add3A_120, %dma_start3A_121] : memref<50x128xi32, #tpu.memory_space<vmem>> -> memref<1x128xi32, #tpu.memory_space<vmem>>
        %dma_start3A_123 = tpu.memref_squeeze %dma_start3A_122 : memref<1x128xi32, #tpu.memory_space<vmem>> -> memref<128xi32, #tpu.memory_space<vmem>>
        %dma_start3A_124 = arith.constant 0 : i32
        %dma_start3A_125 = arith.constant 0 : i32
        %dma_start3A_126 = tpu.memref_slice %arg6[%dma_start3A_124, %dma_start3A_125] : memref<1000x128xf32, #tpu.memory_space<vmem_shared>> -> memref<1000x128xf32, #tpu.memory_space<vmem_shared>>
        tpu.enqueue_indirect_dma source(%dma_start3A_126 : memref<1000x128xf32, #tpu.memory_space<vmem_shared>>) target(%arg7 : memref<128x128xf32, #tpu.memory_space<vmem>>) offsets(%dma_start3A_123 : memref<128xi32, #tpu.memory_space<vmem>>) semaphore(%arg11 : memref<!tpu.dma_semaphore, #tpu.memory_space<semaphore_mem>>)
      } else {
      }
      %lt3A_101 = arith.cmpi slt, %add3A_81, %select_n3A_40 : i32
      %convert_element_type3A_102 = arith.extui %lt3A_101 : i1 to i32
      %cond3A_103 = arith.constant 0 : i32
      %cond3A_104 = arith.cmpi ne, %convert_element_type3A_102, %cond3A_103 : i32
      scf.if %cond3A_104 {
        %dma_wait3A_120 = arith.constant 0 : i32
        %dma_wait3A_121 = arith.constant 0 : i32
        %dma_wait3A_122 = tpu.memref_slice %arg3[%dma_wait3A_120, %dma_wait3A_121] : memref<1000x128xf32, #tpu.memory_space<hbm>> -> memref<128x128xf32, #tpu.memory_space<hbm>>
        %dma_wait3A_123 = arith.constant 0 : i32
        %dma_wait3A_124 = arith.constant 0 : i32
        %dma_wait3A_125 = tpu.memref_slice %arg3[%dma_wait3A_123, %dma_wait3A_124] : memref<1000x128xf32, #tpu.memory_space<hbm>> -> memref<128x128xf32, #tpu.memory_space<hbm>>
        tpu.wait_dma2 semaphore(%arg11 : memref<!tpu.dma_semaphore, #tpu.memory_space<semaphore_mem>>) src(%dma_wait3A_125 : memref<128x128xf32, #tpu.memory_space<hbm>>) dst(%arg7 : memref<128x128xf32, #tpu.memory_space<vmem>>)
      } else {
      }
      %ge3A_105 = arith.constant 2 : i32
      %ge3A_106 = arith.cmpi sge, %add3A_81, %ge3A_105 : i32
      %and3A_107 = arith.andi %lt3A_101, %ge3A_106 : i1
      %convert_element_type3A_108 = arith.extui %and3A_107 : i1 to i32
      %cond3A_109 = arith.constant 0 : i32
      %cond3A_110 = arith.cmpi ne, %convert_element_type3A_108, %cond3A_109 : i32
      scf.if %cond3A_110 {
        %dma_wait3A_120 = arith.constant 0 : i32
        %dma_wait3A_121 = arith.constant 0 : i32
        %dma_wait3A_122 = tpu.memref_slice %arg3[%dma_wait3A_120, %dma_wait3A_121] : memref<1000x128xf32, #tpu.memory_space<hbm>> -> memref<64x128xf32, #tpu.memory_space<hbm>>
        %dma_wait3A_123 = arith.constant 0 : i32
        %dma_wait3A_124 = arith.constant 0 : i32
        %dma_wait3A_125 = tpu.memref_slice %arg3[%dma_wait3A_123, %dma_wait3A_124] : memref<1000x128xf32, #tpu.memory_space<hbm>> -> memref<64x128xf32, #tpu.memory_space<hbm>>
        tpu.wait_dma2 semaphore(%arg12 : memref<!tpu.dma_semaphore, #tpu.memory_space<semaphore_mem>>) src(%dma_wait3A_125 : memref<64x128xf32, #tpu.memory_space<hbm>>) dst(%arg9 : memref<64x128xf32, #tpu.memory_space<vmem>>)
      } else {
      }
      %convert_element_type3A_111 = arith.extui %lt3A_101 : i1 to i32
      %cond3A_112 = arith.constant 0 : i32
      %cond3A_113 = arith.cmpi ne, %convert_element_type3A_111, %cond3A_112 : i32
      scf.if %cond3A_113 {
        %add3A_120 = arith.constant 0 : i32
        %add3A_121 = vector.broadcast %add3A_120 : i32 to vector<16xi32>
        %add3A_122 = arith.addi %iota3A, %add3A_121 : vector<16xi32>
        %add3A_123 = arith.constant 16 : i32
        %add3A_124 = vector.broadcast %add3A_123 : i32 to vector<16xi32>
        %add3A_125 = arith.addi %iota3A, %add3A_124 : vector<16xi32>
        %add3A_126 = arith.constant 32 : i32
        %add3A_127 = vector.broadcast %add3A_126 : i32 to vector<16xi32>
        %add3A_128 = arith.addi %iota3A, %add3A_127 : vector<16xi32>
        %add3A_129 = arith.constant 48 : i32
        %add3A_130 = vector.broadcast %add3A_129 : i32 to vector<16xi32>
        %add3A_131 = arith.addi %iota3A, %add3A_130 : vector<16xi32>
        %add3A_132 = arith.constant 64 : i32
        %add3A_133 = vector.broadcast %add3A_132 : i32 to vector<16xi32>
        %add3A_134 = arith.addi %iota3A, %add3A_133 : vector<16xi32>
        %add3A_135 = arith.constant 80 : i32
        %add3A_136 = vector.broadcast %add3A_135 : i32 to vector<16xi32>
        %add3A_137 = arith.addi %iota3A, %add3A_136 : vector<16xi32>
        %add3A_138 = arith.constant 96 : i32
        %add3A_139 = vector.broadcast %add3A_138 : i32 to vector<16xi32>
        %add3A_140 = arith.addi %iota3A, %add3A_139 : vector<16xi32>
        %add3A_141 = arith.constant 112 : i32
        %add3A_142 = vector.broadcast %add3A_141 : i32 to vector<16xi32>
        %add3A_143 = arith.addi %iota3A, %add3A_142 : vector<16xi32>
        %parallel_loop3A = arith.constant 0 : i32
        %parallel_loop3A_144 = arith.constant 16 : i32
        %parallel_loop3A_145 = arith.constant 1 : i32
        scf.for %parallel_loop3A_155 = %parallel_loop3A to %parallel_loop3A_144 step %parallel_loop3A_145  : i32 {
          %parallel_loop3A_156 = vector.broadcast %parallel_loop3A_155 : i32 to vector<16xi32>
          %parallel_loop3A_157 = arith.addi %iota3A, %parallel_loop3A_156 : vector<16xi32>
          %parallel_loop3A_158 = arith.constant 15 : i32
          %parallel_loop3A_159 = vector.broadcast %parallel_loop3A_158 : i32 to vector<16xi32>
          %parallel_loop3A_160 = arith.andi %parallel_loop3A_157, %parallel_loop3A_159 : vector<16xi32>
          %parallel_loop3A_161 = arith.constant 0 : i32
          %parallel_loop3A_162 = vector.broadcast %parallel_loop3A_161 : i32 to vector<16xi32>
          %parallel_loop3A_163 = arith.addi %parallel_loop3A_160, %parallel_loop3A_162 : vector<16xi32>
          %parallel_loop3A_164 = tpu.vector_load_idx %arg8[%add3A_122, %parallel_loop3A_163] : memref<128x128xf32, #tpu.memory_space<vmem>>[vector<16xi32>, vector<16xi32>], vector<16xf32>,
          tpu.vector_store_idx %arg10[%parallel_loop3A_163, %add3A_122], %parallel_loop3A_164 : memref<64x128xf32, #tpu.memory_space<vmem>>[vector<16xi32>, vector<16xi32>], vector<16xf32>,
          %parallel_loop3A_165 = tpu.vector_load_idx %arg8[%add3A_125, %parallel_loop3A_163] : memref<128x128xf32, #tpu.memory_space<vmem>>[vector<16xi32>, vector<16xi32>], vector<16xf32>,
          tpu.vector_store_idx %arg10[%parallel_loop3A_163, %add3A_125], %parallel_loop3A_165 : memref<64x128xf32, #tpu.memory_space<vmem>>[vector<16xi32>, vector<16xi32>], vector<16xf32>,
          %parallel_loop3A_166 = tpu.vector_load_idx %arg8[%add3A_128, %parallel_loop3A_163] : memref<128x128xf32, #tpu.memory_space<vmem>>[vector<16xi32>, vector<16xi32>], vector<16xf32>,
          tpu.vector_store_idx %arg10[%parallel_loop3A_163, %add3A_128], %parallel_loop3A_166 : memref<64x128xf32, #tpu.memory_space<vmem>>[vector<16xi32>, vector<16xi32>], vector<16xf32>,
          %parallel_loop3A_167 = tpu.vector_load_idx %arg8[%add3A_131, %parallel_loop3A_163] : memref<128x128xf32, #tpu.memory_space<vmem>>[vector<16xi32>, vector<16xi32>], vector<16xf32>,
          tpu.vector_store_idx %arg10[%parallel_loop3A_163, %add3A_131], %parallel_loop3A_167 : memref<64x128xf32, #tpu.memory_space<vmem>>[vector<16xi32>, vector<16xi32>], vector<16xf32>,
          %parallel_loop3A_168 = tpu.vector_load_idx %arg8[%add3A_134, %parallel_loop3A_163] : memref<128x128xf32, #tpu.memory_space<vmem>>[vector<16xi32>, vector<16xi32>], vector<16xf32>,
          tpu.vector_store_idx %arg10[%parallel_loop3A_163, %add3A_134], %parallel_loop3A_168 : memref<64x128xf32, #tpu.memory_space<vmem>>[vector<16xi32>, vector<16xi32>], vector<16xf32>,
          %parallel_loop3A_169 = tpu.vector_load_idx %arg8[%add3A_137, %parallel_loop3A_163] : memref<128x128xf32, #tpu.memory_space<vmem>>[vector<16xi32>, vector<16xi32>], vector<16xf32>,
          tpu.vector_store_idx %arg10[%parallel_loop3A_163, %add3A_137], %parallel_loop3A_169 : memref<64x128xf32, #tpu.memory_space<vmem>>[vector<16xi32>, vector<16xi32>], vector<16xf32>,
          %parallel_loop3A_170 = tpu.vector_load_idx %arg8[%add3A_140, %parallel_loop3A_163] : memref<128x128xf32, #tpu.memory_space<vmem>>[vector<16xi32>, vector<16xi32>], vector<16xf32>,
          tpu.vector_store_idx %arg10[%parallel_loop3A_163, %add3A_140], %parallel_loop3A_170 : memref<64x128xf32, #tpu.memory_space<vmem>>[vector<16xi32>, vector<16xi32>], vector<16xf32>,
          %parallel_loop3A_171 = tpu.vector_load_idx %arg8[%add3A_143, %parallel_loop3A_163] : memref<128x128xf32, #tpu.memory_space<vmem>>[vector<16xi32>, vector<16xi32>], vector<16xf32>,
          tpu.vector_store_idx %arg10[%parallel_loop3A_163, %add3A_143], %parallel_loop3A_171 : memref<64x128xf32, #tpu.memory_space<vmem>>[vector<16xi32>, vector<16xi32>], vector<16xf32>,
          %parallel_loop3A_172 = arith.constant 16 : i32
          %parallel_loop3A_173 = vector.broadcast %parallel_loop3A_172 : i32 to vector<16xi32>
          %parallel_loop3A_174 = arith.addi %parallel_loop3A_160, %parallel_loop3A_173 : vector<16xi32>
          %parallel_loop3A_175 = tpu.vector_load_idx %arg8[%add3A_122, %parallel_loop3A_174] : memref<128x128xf32, #tpu.memory_space<vmem>>[vector<16xi32>, vector<16xi32>], vector<16xf32>,
          tpu.vector_store_idx %arg10[%parallel_loop3A_174, %add3A_122], %parallel_loop3A_175 : memref<64x128xf32, #tpu.memory_space<vmem>>[vector<16xi32>, vector<16xi32>], vector<16xf32>,
          %parallel_loop3A_176 = tpu.vector_load_idx %arg8[%add3A_125, %parallel_loop3A_174] : memref<128x128xf32, #tpu.memory_space<vmem>>[vector<16xi32>, vector<16xi32>], vector<16xf32>,
          tpu.vector_store_idx %arg10[%parallel_loop3A_174, %add3A_125], %parallel_loop3A_176 : memref<64x128xf32, #tpu.memory_space<vmem>>[vector<16xi32>, vector<16xi32>], vector<16xf32>,
          %parallel_loop3A_177 = tpu.vector_load_idx %arg8[%add3A_128, %parallel_loop3A_174] : memref<128x128xf32, #tpu.memory_space<vmem>>[vector<16xi32>, vector<16xi32>], vector<16xf32>,
          tpu.vector_store_idx %arg10[%parallel_loop3A_174, %add3A_128], %parallel_loop3A_177 : memref<64x128xf32, #tpu.memory_space<vmem>>[vector<16xi32>, vector<16xi32>], vector<16xf32>,
          %parallel_loop3A_178 = tpu.vector_load_idx %arg8[%add3A_131, %parallel_loop3A_174] : memref<128x128xf32, #tpu.memory_space<vmem>>[vector<16xi32>, vector<16xi32>], vector<16xf32>,
          tpu.vector_store_idx %arg10[%parallel_loop3A_174, %add3A_131], %parallel_loop3A_178 : memref<64x128xf32, #tpu.memory_space<vmem>>[vector<16xi32>, vector<16xi32>], vector<16xf32>,
          %parallel_loop3A_179 = tpu.vector_load_idx %arg8[%add3A_134, %parallel_loop3A_174] : memref<128x128xf32, #tpu.memory_space<vmem>>[vector<16xi32>, vector<16xi32>], vector<16xf32>,
          tpu.vector_store_idx %arg10[%parallel_loop3A_174, %add3A_134], %parallel_loop3A_179 : memref<64x128xf32, #tpu.memory_space<vmem>>[vector<16xi32>, vector<16xi32>], vector<16xf32>,
          %parallel_loop3A_180 = tpu.vector_load_idx %arg8[%add3A_137, %parallel_loop3A_174] : memref<128x128xf32, #tpu.memory_space<vmem>>[vector<16xi32>, vector<16xi32>], vector<16xf32>,
          tpu.vector_store_idx %arg10[%parallel_loop3A_174, %add3A_137], %parallel_loop3A_180 : memref<64x128xf32, #tpu.memory_space<vmem>>[vector<16xi32>, vector<16xi32>], vector<16xf32>,
          %parallel_loop3A_181 = tpu.vector_load_idx %arg8[%add3A_140, %parallel_loop3A_174] : memref<128x128xf32, #tpu.memory_space<vmem>>[vector<16xi32>, vector<16xi32>], vector<16xf32>,
          tpu.vector_store_idx %arg10[%parallel_loop3A_174, %add3A_140], %parallel_loop3A_181 : memref<64x128xf32, #tpu.memory_space<vmem>>[vector<16xi32>, vector<16xi32>], vector<16xf32>,
          %parallel_loop3A_182 = tpu.vector_load_idx %arg8[%add3A_143, %parallel_loop3A_174] : memref<128x128xf32, #tpu.memory_space<vmem>>[vector<16xi32>, vector<16xi32>], vector<16xf32>,
          tpu.vector_store_idx %arg10[%parallel_loop3A_174, %add3A_143], %parallel_loop3A_182 : memref<64x128xf32, #tpu.memory_space<vmem>>[vector<16xi32>, vector<16xi32>], vector<16xf32>,
          %parallel_loop3A_183 = arith.constant 32 : i32
          %parallel_loop3A_184 = vector.broadcast %parallel_loop3A_183 : i32 to vector<16xi32>
          %parallel_loop3A_185 = arith.addi %parallel_loop3A_160, %parallel_loop3A_184 : vector<16xi32>
          %parallel_loop3A_186 = tpu.vector_load_idx %arg8[%add3A_122, %parallel_loop3A_185] : memref<128x128xf32, #tpu.memory_space<vmem>>[vector<16xi32>, vector<16xi32>], vector<16xf32>,
          tpu.vector_store_idx %arg10[%parallel_loop3A_185, %add3A_122], %parallel_loop3A_186 : memref<64x128xf32, #tpu.memory_space<vmem>>[vector<16xi32>, vector<16xi32>], vector<16xf32>,
          %parallel_loop3A_187 = tpu.vector_load_idx %arg8[%add3A_125, %parallel_loop3A_185] : memref<128x128xf32, #tpu.memory_space<vmem>>[vector<16xi32>, vector<16xi32>], vector<16xf32>,
          tpu.vector_store_idx %arg10[%parallel_loop3A_185, %add3A_125], %parallel_loop3A_187 : memref<64x128xf32, #tpu.memory_space<vmem>>[vector<16xi32>, vector<16xi32>], vector<16xf32>,
          %parallel_loop3A_188 = tpu.vector_load_idx %arg8[%add3A_128, %parallel_loop3A_185] : memref<128x128xf32, #tpu.memory_space<vmem>>[vector<16xi32>, vector<16xi32>], vector<16xf32>,
          tpu.vector_store_idx %arg10[%parallel_loop3A_185, %add3A_128], %parallel_loop3A_188 : memref<64x128xf32, #tpu.memory_space<vmem>>[vector<16xi32>, vector<16xi32>], vector<16xf32>,
          %parallel_loop3A_189 = tpu.vector_load_idx %arg8[%add3A_131, %parallel_loop3A_185] : memref<128x128xf32, #tpu.memory_space<vmem>>[vector<16xi32>, vector<16xi32>], vector<16xf32>,
          tpu.vector_store_idx %arg10[%parallel_loop3A_185, %add3A_131], %parallel_loop3A_189 : memref<64x128xf32, #tpu.memory_space<vmem>>[vector<16xi32>, vector<16xi32>], vector<16xf32>,
          %parallel_loop3A_190 = tpu.vector_load_idx %arg8[%add3A_134, %parallel_loop3A_185] : memref<128x128xf32, #tpu.memory_space<vmem>>[vector<16xi32>, vector<16xi32>], vector<16xf32>,
          tpu.vector_store_idx %arg10[%parallel_loop3A_185, %add3A_134], %parallel_loop3A_190 : memref<64x128xf32, #tpu.memory_space<vmem>>[vector<16xi32>, vector<16xi32>], vector<16xf32>,
          %parallel_loop3A_191 = tpu.vector_load_idx %arg8[%add3A_137, %parallel_loop3A_185] : memref<128x128xf32, #tpu.memory_space<vmem>>[vector<16xi32>, vector<16xi32>], vector<16xf32>,
          tpu.vector_store_idx %arg10[%parallel_loop3A_185, %add3A_137], %parallel_loop3A_191 : memref<64x128xf32, #tpu.memory_space<vmem>>[vector<16xi32>, vector<16xi32>], vector<16xf32>,
          %parallel_loop3A_192 = tpu.vector_load_idx %arg8[%add3A_140, %parallel_loop3A_185] : memref<128x128xf32, #tpu.memory_space<vmem>>[vector<16xi32>, vector<16xi32>], vector<16xf32>,
          tpu.vector_store_idx %arg10[%parallel_loop3A_185, %add3A_140], %parallel_loop3A_192 : memref<64x128xf32, #tpu.memory_space<vmem>>[vector<16xi32>, vector<16xi32>], vector<16xf32>,
          %parallel_loop3A_193 = tpu.vector_load_idx %arg8[%add3A_143, %parallel_loop3A_185] : memref<128x128xf32, #tpu.memory_space<vmem>>[vector<16xi32>, vector<16xi32>], vector<16xf32>,
          tpu.vector_store_idx %arg10[%parallel_loop3A_185, %add3A_143], %parallel_loop3A_193 : memref<64x128xf32, #tpu.memory_space<vmem>>[vector<16xi32>, vector<16xi32>], vector<16xf32>,
          %parallel_loop3A_194 = arith.constant 48 : i32
          %parallel_loop3A_195 = vector.broadcast %parallel_loop3A_194 : i32 to vector<16xi32>
          %parallel_loop3A_196 = arith.addi %parallel_loop3A_160, %parallel_loop3A_195 : vector<16xi32>
          %parallel_loop3A_197 = tpu.vector_load_idx %arg8[%add3A_122, %parallel_loop3A_196] : memref<128x128xf32, #tpu.memory_space<vmem>>[vector<16xi32>, vector<16xi32>], vector<16xf32>,
          tpu.vector_store_idx %arg10[%parallel_loop3A_196, %add3A_122], %parallel_loop3A_197 : memref<64x128xf32, #tpu.memory_space<vmem>>[vector<16xi32>, vector<16xi32>], vector<16xf32>,
          %parallel_loop3A_198 = tpu.vector_load_idx %arg8[%add3A_125, %parallel_loop3A_196] : memref<128x128xf32, #tpu.memory_space<vmem>>[vector<16xi32>, vector<16xi32>], vector<16xf32>,
          tpu.vector_store_idx %arg10[%parallel_loop3A_196, %add3A_125], %parallel_loop3A_198 : memref<64x128xf32, #tpu.memory_space<vmem>>[vector<16xi32>, vector<16xi32>], vector<16xf32>,
          %parallel_loop3A_199 = tpu.vector_load_idx %arg8[%add3A_128, %parallel_loop3A_196] : memref<128x128xf32, #tpu.memory_space<vmem>>[vector<16xi32>, vector<16xi32>], vector<16xf32>,
          tpu.vector_store_idx %arg10[%parallel_loop3A_196, %add3A_128], %parallel_loop3A_199 : memref<64x128xf32, #tpu.memory_space<vmem>>[vector<16xi32>, vector<16xi32>], vector<16xf32>,
          %parallel_loop3A_200 = tpu.vector_load_idx %arg8[%add3A_131, %parallel_loop3A_196] : memref<128x128xf32, #tpu.memory_space<vmem>>[vector<16xi32>, vector<16xi32>], vector<16xf32>,
          tpu.vector_store_idx %arg10[%parallel_loop3A_196, %add3A_131], %parallel_loop3A_200 : memref<64x128xf32, #tpu.memory_space<vmem>>[vector<16xi32>, vector<16xi32>], vector<16xf32>,
          %parallel_loop3A_201 = tpu.vector_load_idx %arg8[%add3A_134, %parallel_loop3A_196] : memref<128x128xf32, #tpu.memory_space<vmem>>[vector<16xi32>, vector<16xi32>], vector<16xf32>,
          tpu.vector_store_idx %arg10[%parallel_loop3A_196, %add3A_134], %parallel_loop3A_201 : memref<64x128xf32, #tpu.memory_space<vmem>>[vector<16xi32>, vector<16xi32>], vector<16xf32>,
          %parallel_loop3A_202 = tpu.vector_load_idx %arg8[%add3A_137, %parallel_loop3A_196] : memref<128x128xf32, #tpu.memory_space<vmem>>[vector<16xi32>, vector<16xi32>], vector<16xf32>,
          tpu.vector_store_idx %arg10[%parallel_loop3A_196, %add3A_137], %parallel_loop3A_202 : memref<64x128xf32, #tpu.memory_space<vmem>>[vector<16xi32>, vector<16xi32>], vector<16xf32>,
          %parallel_loop3A_203 = tpu.vector_load_idx %arg8[%add3A_140, %parallel_loop3A_196] : memref<128x128xf32, #tpu.memory_space<vmem>>[vector<16xi32>, vector<16xi32>], vector<16xf32>,
          tpu.vector_store_idx %arg10[%parallel_loop3A_196, %add3A_140], %parallel_loop3A_203 : memref<64x128xf32, #tpu.memory_space<vmem>>[vector<16xi32>, vector<16xi32>], vector<16xf32>,
          %parallel_loop3A_204 = tpu.vector_load_idx %arg8[%add3A_143, %parallel_loop3A_196] : memref<128x128xf32, #tpu.memory_space<vmem>>[vector<16xi32>, vector<16xi32>], vector<16xf32>,
          tpu.vector_store_idx %arg10[%parallel_loop3A_196, %add3A_143], %parallel_loop3A_204 : memref<64x128xf32, #tpu.memory_space<vmem>>[vector<16xi32>, vector<16xi32>], vector<16xf32>,
        } {sc.loop_unroll_factor = 4 : i64, sc.parallel_access}
        %mul3A_146 = arith.constant 128 : i32
        %mul3A_147 = arith.muli %select_n3A_9, %mul3A_146 : i32
        %multiple_of3A = tpu.assume_multiple %mul3A_147, 128 : i32
        %add3A_148 = arith.addi %sub3A_36, %add3A_81 : i32
        %dma_start3A_149 = arith.constant 0 : i32
        %dma_start3A_150 = tpu.memref_slice %arg4[%add3A_148, %dma_start3A_149, %multiple_of3A] : memref<50x64x1024xf32, #tpu.memory_space<hbm>> -> memref<1x64x128xf32, #tpu.memory_space<hbm>>
        %dma_start3A_151 = tpu.memref_squeeze %dma_start3A_150 : memref<1x64x128xf32, #tpu.memory_space<hbm>> -> memref<64x128xf32, #tpu.memory_space<hbm>>
        %dma_start3A_152 = arith.constant 0 : i32
        %dma_start3A_153 = tpu.memref_slice %arg4[%add3A_148, %dma_start3A_152, %multiple_of3A] : memref<50x64x1024xf32, #tpu.memory_space<hbm>> -> memref<1x64x128xf32, #tpu.memory_space<hbm>>
        %dma_start3A_154 = tpu.memref_squeeze %dma_start3A_153 : memref<1x64x128xf32, #tpu.memory_space<hbm>> -> memref<64x128xf32, #tpu.memory_space<hbm>>
        tpu.enqueue_dma source(%arg10 : memref<64x128xf32, #tpu.memory_space<vmem>>) target(%dma_start3A_154 : memref<64x128xf32, #tpu.memory_space<hbm>>) target_semaphore(%arg12 : memref<!tpu.dma_semaphore, #tpu.memory_space<semaphore_mem>>)
      } else {
      }
      %add3A_114 = arith.constant 2 : i32
      %add3A_115 = arith.addi %add3A_81, %add3A_114 : i32
      %lt3A_116 = arith.cmpi slt, %add3A_115, %select_n3A_40 : i32
      %convert_element_type3A_117 = arith.extui %lt3A_116 : i1 to i32
      %cond3A_118 = arith.constant 0 : i32
      %cond3A_119 = arith.cmpi ne, %convert_element_type3A_117, %cond3A_118 : i32
      scf.if %cond3A_119 {
        %add3A_120 = arith.addi %sub3A_36, %add3A_115 : i32
        %dma_start3A_121 = arith.constant 0 : i32
        %dma_start3A_122 = tpu.memref_slice %arg5[%add3A_120, %dma_start3A_121] : memref<50x128xi32, #tpu.memory_space<vmem>> -> memref<1x128xi32, #tpu.memory_space<vmem>>
        %dma_start3A_123 = tpu.memref_squeeze %dma_start3A_122 : memref<1x128xi32, #tpu.memory_space<vmem>> -> memref<128xi32, #tpu.memory_space<vmem>>
        %dma_start3A_124 = arith.constant 0 : i32
        %dma_start3A_125 = arith.constant 0 : i32
        %dma_start3A_126 = tpu.memref_slice %arg6[%dma_start3A_124, %dma_start3A_125] : memref<1000x128xf32, #tpu.memory_space<vmem_shared>> -> memref<1000x128xf32, #tpu.memory_space<vmem_shared>>
        tpu.enqueue_indirect_dma source(%dma_start3A_126 : memref<1000x128xf32, #tpu.memory_space<vmem_shared>>) target(%arg8 : memref<128x128xf32, #tpu.memory_space<vmem>>) offsets(%dma_start3A_123 : memref<128xi32, #tpu.memory_space<vmem>>) semaphore(%arg11 : memref<!tpu.dma_semaphore, #tpu.memory_space<semaphore_mem>>)
      } else {
      }
    }
    %scan3A_63 = arith.constant 7 : i32
    %dma_wait3A = arith.constant 0 : i32
    %dma_wait3A_64 = arith.constant 0 : i32
    %dma_wait3A_65 = tpu.memref_slice %arg3[%dma_wait3A, %dma_wait3A_64] : memref<1000x128xf32, #tpu.memory_space<hbm>> -> memref<64x128xf32, #tpu.memory_space<hbm>>
    %dma_wait3A_66 = arith.constant 0 : i32
    %dma_wait3A_67 = arith.constant 0 : i32
    %dma_wait3A_68 = tpu.memref_slice %arg3[%dma_wait3A_66, %dma_wait3A_67] : memref<1000x128xf32, #tpu.memory_space<hbm>> -> memref<64x128xf32, #tpu.memory_space<hbm>>
    tpu.wait_dma2 semaphore(%arg12 : memref<!tpu.dma_semaphore, #tpu.memory_space<semaphore_mem>>) src(%dma_wait3A_68 : memref<64x128xf32, #tpu.memory_space<hbm>>) dst(%arg9 : memref<64x128xf32, #tpu.memory_space<vmem>>)
    %dma_wait3A_69 = arith.constant 0 : i32
    %dma_wait3A_70 = arith.constant 0 : i32
    %dma_wait3A_71 = tpu.memref_slice %arg3[%dma_wait3A_69, %dma_wait3A_70] : memref<1000x128xf32, #tpu.memory_space<hbm>> -> memref<64x128xf32, #tpu.memory_space<hbm>>
    %dma_wait3A_72 = arith.constant 0 : i32
    %dma_wait3A_73 = arith.constant 0 : i32
    %dma_wait3A_74 = tpu.memref_slice %arg3[%dma_wait3A_72, %dma_wait3A_73] : memref<1000x128xf32, #tpu.memory_space<hbm>> -> memref<64x128xf32, #tpu.memory_space<hbm>>
    tpu.wait_dma2 semaphore(%arg12 : memref<!tpu.dma_semaphore, #tpu.memory_space<semaphore_mem>>) src(%dma_wait3A_74 : memref<64x128xf32, #tpu.memory_space<hbm>>) dst(%arg9 : memref<64x128xf32, #tpu.memory_space<vmem>>)
    return
  }
}

</mosaic_0001>

<sc_bundles>
// kernel: kernel.3.cloned.1.call-start
scs
__scs_entry_jumppad:
0x0: {  	(pc) =	sbr.rel $0x88, $3  }
0x1: {  	(tag) =	ssettag $0x0;
	lr =	simm.s32 $0x1  }
0x2: {  	[smem:$0x3F9F] =	sst lr;
	_ =	strace $0xD0000000  }
0x3: {  	_ = 	snop  }
0x4: {  	_ = 	snop  }
0x5: {  	_ = 	snop  }
0x6: {  	_ = 	snop  }
0x7: {  	_ = 	snop  }
__scs_overlays_trampoline_lowered:
0x8: {  	[smem:$0x3FAE] =	sst s0  }
0x9: {  	[smem:$0x3FAF] =	sst s1  }
0xa: {  	[smem:$0x3FB0] =	sst s2  }
0xb: {  	[smem:$0x3FB1] =	sst s3  }
0xc: {  	[smem:$0x3FB2] =	sst s4  }
0xd: {  	[smem:$0x3FB3] =	sst s5  }
0xe: {  	[smem:$0x3FB4] =	sst s6  }
0xf: {  	[smem:$0x3FB5] =	sst s7  }
0x10: {  	[smem:$0x3FB6] =	sst s8  }
0x11: {  	[smem:$0x3FB7] =	sst s9;
	s0 =	simm.s32 @!p0 $0x0  }
0x12: {  	s1 =	sld [smem:$0x3F9D];
	s0 =	simm.s32 @p0 $0x1  }
0x13: {  	[smem:$0x3FB8] =	sst s0;
	s0 =	simm.s32 @!p1 $0x0  }
0x14: {  	s2 =	sld [smem:$0x3F9C];
	s0 =	simm.s32 @p1 $0x1  }
0x15: {  	[smem:$0x3FB9] =	sst s0;
	s0 =	simm.s32 @!p2 $0x0  }
0x16: {  	s3 =	sld [smem:$0x3FDB];
	s0 =	simm.s32 @p2 $0x1  }
0x17: {  	s4 =	simm.s32 $0x1BF5;
	[smem:$0x3FBB] =	sst s0  }
0x18: {  	s0 =	sld [smem:$0x3F9E];
	_ =	swait.ge [sflag:s4], $0x0  }
0x19: {  	s7 =	sld [smem:$0x3F9F]  }
0x1a: {  	s8 =	sadd.s32 $0xFFFFE003, lr  }
0x1b: {  	s9 =	sadd.s32 $0xFFFFFEF7, lr;
	s5 =	simm.s32 $0xFFFFFFFF;
	p2 =	slt.u32 s8, $0xFFFFF086  }
0x1c: {  	p1 =	slt.u32 s9, $0xF7A;
	s5 =	simm.s32 @!p2 $0x0  }
0x1d: {  	s5 =	simm.s32 @p1 $0x1;
	p0 =	seq.s32 s7, s2  }
0x1e: {  	s7 =	smul.u32 @!p0 $0xF7A, s2;
	p2 =	seq.s32 @!p0 s5, $0x0  }
0x1f: {  	s9 =	smul.u32 $0xF7A, s1;
	s8 =	simm.s32 @!p0 $0x1BF5;
	p2 =	por !p2, p0  }
0x20: {  	[sflag:s8] =	ssyncset.s32 @!p0 $0xFFFFF086;
	s6 =	sadd.s32 @!p0 s3, s7;
	s7 =	simm.s32 @!p0 $0x108  }
0x21: {  	s3 =	sadd.s32 s3, s9;
	s6 =	sadd.s32 @!p0 $0x88, s6;
	s7 =	simm.s32 @p2 $0x1082  }
0x22: {  	[simem:s7], [sflag:s8] =	dma.local @!p0 [hbm:s6], $0xF7A  }
0x23: {  	s9 =	sor.u32 $0xD0000000, s2;
	s6 =	simm.s32 $0x108;
	_ =	swait.ge @!p0 [sflag:s8], $0x0  }
0x24: {  	s3 =	sadd.s32 $0x88, s3;
	s6 =	simm.s32 @!p1 $0x1082;
	[sflag:s4] =	ssyncset.s32 $0xFFFFF086  }
0x25: {  	[simem:s6], [sflag:s4] =	dma.local [hbm:s3], $0xF7A  }
0x26: {  	[smem:$0x3F9F] =	sst s1;
	(tag) =	ssettag s2;
	_ =	strace s9  }
0x27: {  	s1 =	sld [smem:$0x3FAF]  }
0x28: {  	s2 =	sld [smem:$0x3FB0]  }
0x29: {  	s4 =	sld [smem:$0x3FB2]  }
0x2a: {  	p0 =	seq.s32 s5, $0x0;
	s5 =	sld [smem:$0x3FB3]  }
0x2b: {  	s6 =	sld [smem:$0x3FB4]  }
0x2c: {  	s7 =	sld [smem:$0x3FB5]  }
0x2d: {  	s3 =	simm.s32 $0x108;
	s8 =	sld [smem:$0x3FB6]  }
0x2e: {  	s3 =	simm.s32 @!p0 $0x1082;
	s9 =	sld [smem:$0x3FB7]  }
0x2f: {  	lr =	sadd.s32 s0, s3;
	s0 =	sld [smem:$0x3FAE]  }
0x30: {  	s3 =	sld [smem:$0x3FB1]  }
0x31: {  	[smem:$0x3FBA] =	sst s10  }
0x32: {  	s10 =	sld [smem:$0x3FB8];
	_ =	sdelay $0x3  }
0x33: {  	p0 =	seq.s32 s10, $0x1;
	s10 =	sld [smem:$0x3FBA];
	_ =	sdelay $0x3  }
0x34: {  	[smem:$0x3FBA] =	sst s10  }
0x35: {  	s10 =	sld [smem:$0x3FB9];
	_ =	sdelay $0x3  }
0x36: {  	p1 =	seq.s32 s10, $0x1;
	s10 =	sld [smem:$0x3FBA];
	_ =	sdelay $0x3  }
0x37: {  	[smem:$0x3FBA] =	sst s10  }
0x38: {  	s10 =	sld [smem:$0x3FBB]  }
0x39: {  	_ = 	snop;
	(pc) =	sbr.ind lr, $3  }
0x3a: {  	_ = 	snop  }
0x3b: {  	_ = 	snop  }
0x3c: {  	p2 =	seq.s32 s10, $0x1;
	s10 =	sld [smem:$0x3FBA]  }
0x3d: {  	_ =	shalt  }
0x3e: {  	_ =	shalt  }
0x3f: {  	_ =	shalt  }
0x40: {  	_ =	shalt  }
0x41: {  	_ =	shalt  }
0x42: {  	_ =	shalt  }
0x43: {  	_ =	shalt  }
0x44: {  	_ =	shalt  }
0x45: {  	_ =	shalt  }
0x46: {  	_ =	shalt  }
0x47: {  	_ =	shalt  }
0x48: {  	_ =	shalt  }
0x49: {  	_ =	shalt  }
0x4a: {  	_ =	shalt  }
0x4b: {  	_ =	shalt  }
0x4c: {  	_ =	shalt  }
0x4d: {  	_ =	shalt  }
0x4e: {  	_ =	shalt  }
0x4f: {  	_ =	shalt  }
0x50: {  	_ =	shalt  }
0x51: {  	_ =	shalt  }
0x52: {  	_ =	shalt  }
0x53: {  	_ =	shalt  }
0x54: {  	_ =	shalt  }
0x55: {  	_ =	shalt  }
0x56: {  	_ =	shalt  }
0x57: {  	_ =	shalt  }
0x58: {  	_ =	shalt  }
0x59: {  	_ =	shalt  }
0x5a: {  	_ =	shalt  }
0x5b: {  	_ =	shalt  }
0x5c: {  	_ =	shalt  }
0x5d: {  	_ =	shalt  }
0x5e: {  	_ =	shalt  }
0x5f: {  	_ =	shalt  }
0x60: {  	_ =	shalt  }
0x61: {  	_ =	shalt  }
0x62: {  	_ =	shalt  }
0x63: {  	_ =	shalt  }
0x64: {  	_ =	shalt  }
0x65: {  	_ =	shalt  }
0x66: {  	_ =	shalt  }
0x67: {  	_ =	shalt  }
0x68: {  	_ =	shalt  }
0x69: {  	_ =	shalt  }
0x6a: {  	_ =	shalt  }
0x6b: {  	_ =	shalt  }
0x6c: {  	_ =	shalt  }
0x6d: {  	_ =	shalt  }
0x6e: {  	_ =	shalt  }
0x6f: {  	_ =	shalt  }
0x70: {  	_ =	shalt  }
0x71: {  	_ =	shalt  }
0x72: {  	_ =	shalt  }
0x73: {  	_ =	shalt  }
0x74: {  	_ =	shalt  }
0x75: {  	_ =	shalt  }
0x76: {  	_ =	shalt  }
0x77: {  	_ =	shalt  }
0x78: {  	_ =	shalt  }
0x79: {  	_ =	shalt  }
0x7a: {  	_ =	shalt  }
0x7b: {  	_ =	shalt  }
0x7c: {  	_ =	shalt  }
0x7d: {  	_ =	shalt  }
0x7e: {  	_ =	shalt  }
0x7f: {  	_ =	shalt  }
0x80: {  	_ =	shalt  }
0x81: {  	_ =	shalt  }
0x82: {  	_ =	shalt  }
0x83: {  	_ =	shalt  }
0x84: {  	_ =	shalt  }
0x85: {  	_ =	shalt  }
0x86: {  	_ =	shalt  }
0x87: {  	_ =	shalt  }
.Lfunc_end0:
.L_simem_size_0:
called_computation_lowered:
.L_overlay_start_0:
0x88: {  	s2 =	sld [smem:$0x3FD9]  }
0x89: {  	s3 =	sld [smem:$0x3FFE];
	_ =	sdelay $0x1  }
0x8a: {  	s1 =	srdreg.scid  }
0x8b: {  	s0 =	sand.u32 $0x1, s1  }
0x8c: {  	s17 =	sshll.u32 s0, $0xA;
	s2 =	sadd.s32 s3, s2  }
0x8d: {  	s2 =	sadd.s32 s2, s17  }
0x8e: {  	[smem:$0x3FC6] =	sst s2  }
0x8f: {  	_ = 	snop  }
0x90: {  	s2 =	sld [smem:$0x3FD0];
	(tm) =	ssettm $0x1  }
0x91: {  	s18 =	sld [smem:$0x3FFB];
	_ =	sdelay $0x3  }
0x92: {  	_ =	strace s18  }
0x93: {  	s3 =	sld [smem:$0x3FFC];
	_ =	sdelay $0x3  }
0x94: {  	_ =	strace s3  }
0x95: {  	s3 =	sld [smem:$0x3FFD];
	_ =	sdelay $0x3  }
0x96: {  	_ =	strace s3  }
0x97: {  	_ =	strace $0x8FFFFFFF  }
0x98: {  	s19 =	sld [smem:$0x3FDB];
	_ =	sdelay $0x1  }
0x99: {  	s4 =	simm.s32 $_scs_section_size  }
0x9a: {  	s5 =	simm.s32 $_size__tile_overlayer_lowered;
	s6 =	simm.s32 $_tile_overlayer_lowered  }
0x9b: {  	s22 =	simm.s32 $0x1BFF;
	s21 =	sshll.u32 s6, $0x1;
	s3 =	sadd.s32 s4, s19  }
0x9c: {  	s7 =	simm.s32 $0x0;
	s20 =	sshll.u32 s5, $0x1;
	s5 =	sadd.s32 s21, s3  }
0x9d: {  	[timem:s7], [sflag:s22] =	dma.local [hbm:s5], s20  }
0x9e: {  	_ =	swait.ge [sflag:s22], s20  }
0x9f: {  	s4 =	ssub.s32 $0x0, s20;
	[sflag:s22] =	ssyncset.done $0x0  }
0xa0: {  	[sflag:s22] =	ssyncadd.s32 s4;
	_ =	sdelay $0x1  }
0xa1: {  	s23 =	simm.s32 $0x1B8B  }
0xa2: {  	_ =	swait.ge [sflag:s23], $0x1  }
0xa3: {  	[sflag:s23] =	ssyncset.done $0x0  }
0xa4: {  	s25 =	simm.s32 $0x1B8E;
	s24 =	sld [smem:$0x3FFE];
	[sflag:s23] =	ssyncadd.s32 $0xFFFFFFFF  }
0xa5: {  	s26 =	simm.s32 $execute0_lowered;
	[smem:$0x3FD2] =	sst s25  }
0xa6: {  	s5 =	sshll.u32 s26, $0x1;
	_ =	strace $0x80000046;
	[dreg:$0x1] =	wrdreg $0xFFFFFFFF  }
0xa7: {  	s28 =	simm.s32 $_size_execute0_lowered;
	s3 =	sadd.s32 s3, s5;
	[dreg:$0x0] =	wrdreg $0x0  }
0xa8: {  	s5 =	sshll.u32 s28, $0x1;
	[dreg:$0x2] =	wrdreg s3  }
0xa9: {  	[dreg:$0x3] =	wrdreg s5  }
0xaa: {  	[dreg:$0x4] =	wrdreg $0xC0  }
0xab: {  	_ =	task [dreg:s7], $0x5FFFF  }
0xac: {  	[dreg:$0x1] =	wrdreg $0xFFFFFFFF  }
0xad: {  	[dreg:$0x0] =	wrdreg $0x60  }
0xae: {  	[dreg:$0x2] =	wrdreg s24  }
0xaf: {  	[dreg:$0x3] =	wrdreg s2  }
0xb0: {  	[dreg:$0x4] =	wrdreg $0x1C000  }
0xb1: {  	[dreg:$0x5] =	wrdreg $0x9  }
0xb2: {  	_ =	task.clear_ibuf [dreg:s7], $0x6FFFF;
	_ =	strace $0x90000046  }
0xb3: {  	s29 =	simm.s32 $0x9;
	_ =	strace $0x80000048  }
0xb4: {  	_ =	swait.ge [sflag:s29], $0x1  }
0xb5: {  	[sflag:s29] =	ssyncadd.s32 $0xFFFFFFFF  }
0xb6: {  	_ =	strace $0x90000048  }
0xb7: {  	_ =	sfence  }
0xb8: {  	s30 =	sld [smem:$0x0];
	_ =	sdelay $0x2  }
0xb9: {  	s31 =	sshll.u32 s1, $0xD;
	s1 =	sshrl.u32 s1, $0x2  }
0xba: {  	s3 =	sand.u32 $0x4000, s31;
	s1 =	sadd.s32 s1, s30  }
0xbb: {  	s0 =	sor.u32 s3, s0;
	s1 =	sshll.u32 s1, $0x11  }
0xbc: {  	s0 =	sor.u32 s1, s0  }
0xbd: {  	s0 =	sadd.s32 $0x8F2B, s0  }
0xbe: {  	[sflag:s0] =	ssyncadd.remote.s32 $0x1  }
0xbf: {  	_ =	sfence.sel $0xFFFF  }
0xc0: {  	[dreg:$0x0] =	wrdreg $0xFFFFFFFF;
	(pc) =	sbr.abs _section_cstart, $3  }
0xc1: {  	[dreg:$0x1] =	wrdreg $0xFFFFFFFF  }
0xc2: {  	_ =	task.clear_ibuf [dreg:s7], $0x2FFFF;
	_ =	strace $0x9FFFFFFF  }
0xc3: {  	(tm) =	ssettm $0x7FFFFFFF  }
tec
execute0_lowered:
.L_overlay_start_1:
0x0: {  	(tag) =	ssettag $0x1  }
0x1: {  	v45 =	vlaneseq.u32  }
0x2: {  	v35 =	vmul.u32 $0x80, v45;
	_ =	sdelay $0x1  }
0x3: {  	v0 =	vor.u32 $0x1000, v35  }
0x4: {  	s5 =	rddreg [dreg:$0x0];
	[tilespmem:$0x1FC10] =	vst v0;
	v0 =	vor.u32 $0x3800, v35  }
0x5: {  	s0 =	rddreg [dreg:$0x1];
	s3 =	simm.s32 $0x0;
	[tilespmem:$0x1FC20] =	vst v0;
	v0 =	vor.u32 $0x10, v35  }
0x6: {  	[smem:$0x7FF] =	sst s3;
	[tilespmem:$0x1FC30] =	vst v0;
	v0 =	vor.u32 $0x870, v45  }
0x7: {  	s2 =	rddreg [dreg:$0x2];
	v1 =	vor.u32 $0x1040, v45;
	_ =	strace $0x80000047;
	[tilespmem:$0x1FC40] =	vst v0  }
0x8: {  	[tilespmem:$0x1FC60] =	vst v1  }
0x9: {  	v43 =	vor.u32 $0x30, v45;
	[tilespmem:$0x1FC70] =	vst v35  }
0xa: {  	v44 =	vor.u32 $0x2000, v35;
	[tilespmem:$0x1FC80] =	vst v43  }
0xb: {  	v46 =	vor.u32 $0x40, v45;
	[tilespmem:$0x1FC90] =	vst v44  }
0xc: {  	v42 =	vor.u32 $0x50, v45;
	[tilespmem:$0x1FCA0] =	vst v46  }
0xd: {  	v41 =	vor.u32 $0x800, v45;
	[tilespmem:$0x1FCB0] =	vst v42  }
0xe: {  	v40 =	vor.u32 $0x810, v45;
	[tilespmem:$0x1FCC0] =	vst v41  }
0xf: {  	v39 =	vor.u32 $0x2010, v35;
	[tilespmem:$0x1FCD0] =	vst v40  }
0x10: {  	v38 =	vor.u32 $0x2810, v35;
	[tilespmem:$0x1FCE0] =	vst v39  }
0x11: {  	v37 =	vor.u32 $0x820, v35;
	[tilespmem:$0x1FCF0] =	vst v38  }
0x12: {  	v36 =	vor.u32 $0x1020, v35;
	[tilespmem:$0x1FD00] =	vst v37  }
0x13: {  	v32 =	vor.u32 $0x1870, v45;
	[tilespmem:$0x1FD10] =	vst v36  }
0x14: {  	v6 =	vor.u32 $0x3830, v35;
	[tilespmem:$0x1FD30] =	vst v32  }
0x15: {  	v8 =	vor.u32 $0x1850, v45;
	[tilespmem:$0x1FD40] =	vst v6  }
0x16: {  	v25 =	vor.u32 $0x1860, v45;
	[tilespmem:$0x1FD50] =	vst v8  }
0x17: {  	v9 =	vor.u32 $0x3030, v35;
	[tilespmem:$0x1FD60] =	vst v25  }
0x18: {  	v5 =	vor.u32 $0x3820, v35;
	[tilespmem:$0x1FD70] =	vst v9  }
0x19: {  	v31 =	vor.u32 $0x1820, v35;
	[tilespmem:$0x1FD80] =	vst v5  }
0x1a: {  	v2 =	vor.u32 $0x2820, v35;
	[tilespmem:$0x1FD90] =	vst v31  }
0x1b: {  	v3 =	vor.u32 $0x1050, v45;
	[tilespmem:$0x1FDA0] =	vst v2  }
0x1c: {  	v7 =	vor.u32 $0x1070, v45;
	[tilespmem:$0x1FDB0] =	vst v3  }
0x1d: {  	v10 =	vor.u32 $0x30, v35;
	[tilespmem:$0x1FDC0] =	vst v7  }
0x1e: {  	v11 =	vor.u32 $0x1800, v45;
	[tilespmem:$0x1FDD0] =	vst v10  }
0x1f: {  	v12 =	vor.u32 $0x830, v35;
	[tilespmem:$0x1FDE0] =	vst v11  }
0x20: {  	v13 =	vor.u32 $0x1810, v45;
	[tilespmem:$0x1FDF0] =	vst v12  }
0x21: {  	v14 =	vor.u32 $0x1030, v35;
	[tilespmem:$0x1FE00] =	vst v13  }
0x22: {  	v15 =	vor.u32 $0x1820, v45;
	[tilespmem:$0x1FE10] =	vst v14  }
0x23: {  	v16 =	vor.u32 $0x1830, v35;
	[tilespmem:$0x1FE20] =	vst v15  }
0x24: {  	v17 =	vor.u32 $0x1830, v45;
	[tilespmem:$0x1FE30] =	vst v16  }
0x25: {  	v18 =	vor.u32 $0x2030, v35;
	[tilespmem:$0x1FE40] =	vst v17  }
0x26: {  	v19 =	vor.u32 $0x1840, v45;
	[tilespmem:$0x1FE50] =	vst v18  }
0x27: {  	v24 =	vor.u32 $0x2830, v35;
	[tilespmem:$0x1FE60] =	vst v19  }
0x28: {  	v62 =	vor.u32 $0x3020, v35;
	[tilespmem:$0x1FE70] =	vst v24  }
0x29: {  	v51 =	vor.u32 $0x1060, v45;
	[tilespmem:$0x1FE80] =	vst v62  }
0x2a: {  	v21 =	vor.u32 $0x800, v35;
	[tilespmem:$0x1FE90] =	vst v51  }
0x2b: {  	v60 =	vor.u32 $0x860, v45;
	[tilespmem:$0x1FEA0] =	vst v21  }
0x2c: {  	v61 =	vor.u32 $0x1000, v45;
	[tilespmem:$0x1FEB0] =	vst v60  }
0x2d: {  	v59 =	vor.u32 $0x1030, v45;
	[tilespmem:$0x1FEC0] =	vst v61  }
0x2e: {  	v63 =	vor.u32 $0x2020, v35;
	[tilespmem:$0x1FED0] =	vst v59  }
0x2f: {  	v58 =	vor.u32 $0x1010, v45;
	[tilespmem:$0x1FEE0] =	vst v63  }
0x30: {  	v56 =	vor.u32 $0x3810, v35;
	[tilespmem:$0x1FEF0] =	vst v58  }
0x31: {  	v34 =	vor.u32 $0x1800, v35;
	[tilespmem:$0x1FF00] =	vst v56  }
0x32: {  	v48 =	vor.u32 $0x3000, v35;
	[tilespmem:$0x1FF10] =	vst v34  }
0x33: {  	v27 =	vor.u32 $0x1010, v35;
	[tilespmem:$0x1FF20] =	vst v48  }
0x34: {  	v52 =	vor.u32 $0x1810, v35;
	[tilespmem:$0x1FF30] =	vst v27  }
0x35: {  	s12 =	stileid.u32;
	v54 =	vor.u32 $0x840, v45;
	[tilespmem:$0x1FF40] =	vst v52  }
0x36: {  	s4 =	srdreg.scid;
	s13 =	simm.s32 $0x80;
	s14 =	simm.s32 $0x400;
	v57 =	vor.u32 $0x3010, v35;
	[tilespmem:$0x1FF50] =	vst v54  }
0x37: {  	s15 =	simm.s32 $0x3;
	s16 =	simm.s32 $0x3B40;
	s17 =	simm.s32 $0x7B40;
	v22 =	vor.u32 $0x10, v45;
	[tilespmem:$0x1FF60] =	vst v57  }
0x38: {  	s18 =	simm.s32 $0x1;
	s19 =	simm.s32 $0xBB40;
	s20 =	simm.s32 $0x2000;
	v33 =	vor.u32 $0x20, v45;
	[tilespmem:$0x1FF70] =	vst v22  }
0x39: {  	s21 =	simm.s32 $0xDB40;
	s22 =	simm.s32 $0x2;
	s23 =	simm.s32 $0x0;
	v47 =	vor.u32 $0x2800, v35;
	[tilespmem:$0x1FF80] =	vst v33  }
0x3a: {  	v49 =	vor.u32 $0x60, v45;
	s6 =	sshll.u32 s12, $0x1;
	s7 =	sshrl.u32 s12, $0x2;
	s4 =	sand.u32 $0x1, s4;
	[tilespmem:$0x1FF90] =	vst v47  }
0x3b: {  	v23 =	vor.u32 $0x70, v45;
	p0 =	sgt.u32 s12, $0x7;
	s6 =	sand.u32 $0x6, s6;
	s8 =	smul.u32 $0xD, s7;
	[tilespmem:$0x1FFA0] =	vst v49  }
0x3c: {  	s25 =	smax.u32 s7, $0x2;
	s9 =	ssub.s32 $0x2, s4;
	v28 =	vor.u32 $0x810, v35;
	s10 =	sor.u32 s4, s6;
	[tilespmem:$0x1FFB0] =	vst v23  }
0x3d: {  	v50 =	vor.u32 $0x820, v45;
	s30 =	sshrl.u32 s9, $0x1;
	s6 =	simm.s32 $0xC;
	s26 =	sshll.u32 s10, $0x4;
	[tilespmem:$0x1FFC0] =	vst v28  }
.Ltmp0:
0x3e: {  	v53 =	vor.u32 $0x830, v45;
	s28 =	ssub.s32 s8, s25;
	s11 =	ssub.s32 s9, s30;
	[tilespmem:$0x1FFD0] =	vst v50;
	(pc) =	sbr.rel .LBB2_1-.Ltmp0, $4  }
0x3f: {  	v55 =	vor.u32 $0x850, v45;
	s6 =	simm.s32 @!p0 $0xD;
	s10 =	sshll.u32 s10, $0xA;
	s4 =	sadd.s32 $0x2, s28;
	[tilespmem:$0x1FFE0] =	vst v53  }
0x40: {  	p0 =	sne.s32 s12, $0x0;
	s29 =	sadd.s32 s26, s5;
	s31 =	sshll.u32 s4, $0x9;
	v0 =	vor.u32 $0x20, v35;
	[tilespmem:$0x1FFF0] =	vst v55  }
0x41: {  	s5 =	sadd.s32 $0x1E00, s5;
	s11 =	smax.u32 s11, $0x1;
	s7 =	sshra.s32 s31, $0x2;
	[tilespmem:$0x1FC50] =	vst v0;
	v0 =	vor.u32 $0x1020, v45  }
0x42: {  	s12 =	sshrl.u32 @!p0 s2, $0x3;
	s8 =	sadd.s32 $0x400, s29;
	s9 =	sadd.s32 $0x80, s7;
	[tilespmem:$0x1FD20] =	vst v0  }
.LBB2_11:
0x43: {  	s23 =	sadd.s32 $0x1, s23  }
0x44: {  	_ =	swait.ge [sflag:s22], $0x2000;
	p1 =	sne.s32 s23, s11  }
.Ltmp1:
0x45: {  	[sflag:s22] =	ssyncset.done $0x0;
	(pc) =	sbr.rel @!p1 .LBB2_12-.Ltmp1, $4  }
0x46: {  	[sflag:s22] =	ssyncadd.s32 $0xFFFFE000  }
0x47: {  	_ =	swait.ge [sflag:s22], $0x2000  }
0x48: {  	[sflag:s22] =	ssyncset.done $0x0  }
0x49: {  	[sflag:s22] =	ssyncadd.s32 $0xFFFFE000  }
.LBB2_1:
0x4a: {  	s24 =	simm.s32 @!p0 $0x1C03  }
0x4b: {  	[spmem:s12], [sflag:s24] =	dma.local @!p0 [hbm:s5], $0x3E80  }
0x4c: {  	s24 =	simm.s32 @!p0 $0x3  }
0x4d: {  	_ =	swait.ge @!p0 [sflag:s24], $0x3E80  }
0x4e: {  	[sflag:s24] =	ssyncset.done @!p0 $0x0  }
0x4f: {  	[sflag:s24] =	ssyncadd.s32 @!p0 $0xFFFFC180  }
0x50: {  	[tilespmem:s3], [sflag:$0x3] =	stream.strided.gather [hbm4b:s8+s13], $0x1900, s14, s13, $0x38;
	[tilespmem:$0xFB40] =	vst v63  }
0x51: {  	_ =	swait.ge [sflag:s15], $0x1900  }
0x52: {  	[sflag:s15] =	ssyncset.done $0x0  }
.Ltmp2:
0x53: {  	[sflag:s15] =	ssyncadd.s32 $0xFFFFE700;
	(pc) =	sbr.rel .LBB2_2-.Ltmp2, $4  }
0x54: {  	[bflag:$0x0] =	sbarrier.arrive $0xFFFF  }
0x55: {  	[tilespmem:s16], [sflag:$0x1] =	stream.indirect.gather [spmem:s2], $0x80, s7, s13, $0xb8;
	[tilespmem:$0xFB40] =	vst v63  }
0x56: {  	s24 =	simm.s32 $0x0  }
0x57: {  	[tilespmem:s17], [sflag:$0x1] =	stream.indirect.gather [spmem:s2], $0x80, s9, s13, $0xb8;
	[tilespmem:$0xFB40] =	vst v63  }
.LBB2_10:
0x58: {  	s1 =	sadd.s32 $0x3, s25  }
0x59: {  	p1 =	sge.u32 s1, s6  }
0x5a: {  	s1 =	sadd.s32 @!p1 s4, s1  }
0x5b: {  	s24 =	sadd.s32 $0x1, s24;
	s1 =	sshll.u32 @!p1 s1, $0x7  }
0x5c: {  	s25 =	simm.s32 @!p1 $0x80;
	s26 =	simm.s32 @!p1 $0x7B40;
	s1 =	sand.u32 @!p1 $0x3FFFFF80, s1  }
0x5d: {  	[tilespmem:s26], [sflag:$0x1] =	stream.indirect.gather @!p1 [spmem:s2], $0x80, s1, s25, $0xb8;
	[tilespmem:$0xFB40] =	vst v63  }
0x5e: {  	p1 =	sne.s32 s24, $0x7  }
.Ltmp3:
0x5f: {  	_ = 	snop;
	(pc) =	sbr.rel @!p1 .LBB2_11-.Ltmp3, $2  }
0x60: {  	_ =	sdelay $0x2  }
0x61: {  	v0 =	vld [tilespmem:$0x1FD20]  }
.LBB2_2:
0x62: {  	s25 =	sshll.u32 s24, $0x1  }
0x63: {  	p2 =	slt.u32 s25, s6  }
.Ltmp4:
0x64: {  	_ = 	snop;
	(pc) =	sbr.rel @!p2 .LBB2_6-.Ltmp4, $2  }
0x65: {  	_ =	sdelay $0x2  }
0x66: {  	p1 =	sne.s32 s24, $0x0  }
0x67: {  	s26 =	simm.s32 $0x1  }
0x68: {  	v6 =	vadd.s32 s26, v45  }
0x69: {  	_ =	swait.ge [sflag:s18], $0x4000;
	v25 =	vand.u32 $0xF, v6  }
0x6a: {  	p2 =	seq.s32 s24, $0x0;
	v30 =	vmov v0;
	[sflag:s18] =	ssyncset.done $0x0;
	v0 =	vor.u32 v35, v25  }
0x6b: {  	s28 =	simm.s32 @!p2 $0x2;
	[sflag:s18] =	ssyncadd.s32 $0xFFFFC000  }
0x6c: {  	_ =	swait.ge @!p2 [sflag:s28], $0x2000  }
0x6d: {  	[sflag:s28] =	ssyncset.done @!p2 $0x0  }
0x6e: {  	s30 =	simm.s32 $0x2;
	v7 =	vshll.u32 v25, $0x7;
	[sflag:s28] =	ssyncadd.s32 @!p2 $0xFFFFE000  }
0x6f: {  	s29 =	simm.s32 $0x3;
	v1 =	vadd.s32 s30, v45;
	v13 =	vor.u32 v45, v7;
	v12 =	vld.idx.msk [tilespmem:v0+s16+$0x0], $0xffff  }
0x70: {  	s31 =	simm.s32 $0x0;
	v5 =	vadd.s32 s29, v45;
	v8 =	vand.u32 $0xF, v1  }
0x71: {  	v2 =	vadd.s32 s31, v45;
	v9 =	vand.u32 $0xF, v5;
	v3 =	vor.u32 v35, v8  }
0x72: {  	v24 =	vand.u32 $0xF, v2;
	v10 =	vor.u32 v35, v9  }
0x73: {  	v11 =	vor.u32 v35, v24  }
0x74: {  	v14 =	vor.u32 v21, v25;
	[tilespmem:v13+s19+$0x0] =	vst.idx.msk $0xffff, v12  }
0x75: {  	v0 =	vshll.u32 v8, $0x7;
	v31 =	vld [tilespmem:$0x1FC10]  }
0x76: {  	v4 =	vshll.u32 v9, $0x7;
	v15 =	vld.idx.msk [tilespmem:v3+s16+$0x0], $0xffff;
	v16 =	vor.u32 v45, v0  }
0x77: {  	v17 =	vor.u32 v21, v8;
	v18 =	vor.u32 v45, v4;
	v3 =	vshll.u32 v24, $0x7;
	v10 =	vld.idx.msk [tilespmem:v10+s16+$0x0], $0xffff  }
0x78: {  	v20 =	vor.u32 v21, v9;
	v11 =	vld.idx.msk [tilespmem:v11+s16+$0x0], $0xffff;
	v19 =	vor.u32 v45, v3  }
0x79: {  	v12 =	vor.u32 v21, v24;
	v13 =	vld.idx.msk [tilespmem:v14+s16+$0x0], $0xffff;
	v14 =	vor.u32 v22, v7  }
0x7a: {  	v21 =	vor.u32 v31, v25  }
0x7b: {  	[tilespmem:v16+s19+$0x0] =	vst.idx.msk $0xffff, v15  }
0x7c: {  	v16 =	vor.u32 v22, v0;
	[tilespmem:v18+s19+$0x0] =	vst.idx.msk $0xffff, v10;
	v15 =	vld.idx.msk [tilespmem:v17+s16+$0x0], $0xffff  }
0x7d: {  	[tilespmem:v19+s19+$0x0] =	vst.idx.msk $0xffff, v11;
	v11 =	vld.idx.msk [tilespmem:v20+s16+$0x0], $0xffff;
	v17 =	vor.u32 v22, v4;
	v10 =	vor.u32 v31, v8  }
0x7e: {  	v51 =	vor.u32 v22, v3;
	v12 =	vld.idx.msk [tilespmem:v12+s16+$0x0], $0xffff;
	v59 =	vor.u32 v31, v9;
	[tilespmem:v14+s19+$0x0] =	vst.idx.msk $0xffff, v13  }
0x7f: {  	v20 =	vor.u32 v33, v7;
	v13 =	vor.u32 v31, v24;
	v14 =	vld.idx.msk [tilespmem:v21+s16+$0x0], $0xffff  }
0x80: {  	v21 =	vor.u32 v34, v25  }
0x81: {  	[tilespmem:v16+s19+$0x0] =	vst.idx.msk $0xffff, v15  }
0x82: {  	v15 =	vor.u32 v33, v0;
	[tilespmem:v17+s19+$0x0] =	vst.idx.msk $0xffff, v11;
	v10 =	vld.idx.msk [tilespmem:v10+s16+$0x0], $0xffff  }
0x83: {  	v16 =	vor.u32 v33, v4;
	[tilespmem:v51+s19+$0x0] =	vst.idx.msk $0xffff, v12;
	v12 =	vor.u32 v34, v8;
	v11 =	vld.idx.msk [tilespmem:v59+s16+$0x0], $0xffff  }
0x84: {  	v62 =	vor.u32 v34, v9;
	v17 =	vor.u32 v33, v3;
	v13 =	vld.idx.msk [tilespmem:v13+s16+$0x0], $0xffff;
	[tilespmem:v20+s19+$0x0] =	vst.idx.msk $0xffff, v14  }
0x85: {  	v14 =	vor.u32 v34, v24;
	v20 =	vor.u32 v43, v7;
	v32 =	vld.idx.msk [tilespmem:v21+s16+$0x0], $0xffff  }
0x86: {  	v21 =	vor.u32 v44, v25  }
0x87: {  	[tilespmem:v15+s19+$0x0] =	vst.idx.msk $0xffff, v10  }
0x88: {  	[tilespmem:v16+s19+$0x0] =	vst.idx.msk $0xffff, v11;
	v11 =	vor.u32 v43, v0;
	v10 =	vld.idx.msk [tilespmem:v12+s16+$0x0], $0xffff  }
0x89: {  	[tilespmem:v17+s19+$0x0] =	vst.idx.msk $0xffff, v13;
	v13 =	vor.u32 v44, v8;
	v15 =	vor.u32 v43, v4;
	v12 =	vld.idx.msk [tilespmem:v62+s16+$0x0], $0xffff  }
0x8a: {  	v16 =	vor.u32 v43, v3;
	v17 =	vor.u32 v44, v9;
	v14 =	vld.idx.msk [tilespmem:v14+s16+$0x0], $0xffff;
	[tilespmem:v20+s19+$0x0] =	vst.idx.msk $0xffff, v32  }
0x8b: {  	v33 =	vor.u32 v44, v24;
	v20 =	vor.u32 v46, v7;
	v19 =	vld.idx.msk [tilespmem:v21+s16+$0x0], $0xffff  }
0x8c: {  	v21 =	vor.u32 v47, v25  }
0x8d: {  	[tilespmem:v11+s19+$0x0] =	vst.idx.msk $0xffff, v10  }
0x8e: {  	[tilespmem:v15+s19+$0x0] =	vst.idx.msk $0xffff, v12;
	v11 =	vor.u32 v46, v0;
	v10 =	vld.idx.msk [tilespmem:v13+s16+$0x0], $0xffff  }
0x8f: {  	v12 =	vld.idx.msk [tilespmem:v17+s16+$0x0], $0xffff;
	v13 =	vor.u32 v47, v8;
	[tilespmem:v16+s19+$0x0] =	vst.idx.msk $0xffff, v14;
	v14 =	vor.u32 v46, v4  }
0x90: {  	v17 =	vor.u32 v47, v9;
	v16 =	vor.u32 v46, v3;
	v15 =	vld.idx.msk [tilespmem:v33+s16+$0x0], $0xffff;
	[tilespmem:v20+s19+$0x0] =	vst.idx.msk $0xffff, v19  }
0x91: {  	v34 =	vor.u32 v47, v24;
	v20 =	vor.u32 v42, v7;
	v19 =	vld.idx.msk [tilespmem:v21+s16+$0x0], $0xffff  }
0x92: {  	v21 =	vor.u32 v48, v25  }
0x93: {  	[tilespmem:v11+s19+$0x0] =	vst.idx.msk $0xffff, v10  }
0x94: {  	v10 =	vld.idx.msk [tilespmem:v13+s16+$0x0], $0xffff;
	[tilespmem:v14+s19+$0x0] =	vst.idx.msk $0xffff, v12  }
0x95: {  	v11 =	vor.u32 v42, v0;
	[tilespmem:v16+s19+$0x0] =	vst.idx.msk $0xffff, v15;
	v12 =	vld.idx.msk [tilespmem:v17+s16+$0x0], $0xffff  }
0x96: {  	v14 =	vor.u32 v42, v4;
	v15 =	vld.idx.msk [tilespmem:v34+s16+$0x0], $0xffff;
	[tilespmem:v20+s19+$0x0] =	vst.idx.msk $0xffff, v19  }
0x97: {  	v16 =	vor.u32 v42, v3;
	v19 =	vld.idx.msk [tilespmem:v21+s16+$0x0], $0xffff  }
0x98: {  	v20 =	vor.u32 v49, v7;
	v26 =	vld [tilespmem:$0x1FC20];
	_ =	sdelay $0x1  }
0x99: {  	v13 =	vor.u32 v48, v8;
	[tilespmem:v11+s19+$0x0] =	vst.idx.msk $0xffff, v10  }
0x9a: {  	v17 =	vor.u32 v48, v9;
	[tilespmem:v14+s19+$0x0] =	vst.idx.msk $0xffff, v12  }
0x9b: {  	v43 =	vor.u32 v48, v24;
	[tilespmem:v16+s19+$0x0] =	vst.idx.msk $0xffff, v15  }
0x9c: {  	v21 =	vor.u32 v26, v25;
	[tilespmem:v20+s19+$0x0] =	vst.idx.msk $0xffff, v19  }
0x9d: {  	v29 =	vld [tilespmem:$0x1FC30]  }
0x9e: {  	v11 =	vor.u32 v49, v0;
	v10 =	vld.idx.msk [tilespmem:v13+s16+$0x0], $0xffff  }
0x9f: {  	v14 =	vor.u32 v49, v4;
	v12 =	vld.idx.msk [tilespmem:v17+s16+$0x0], $0xffff;
	v13 =	vor.u32 v26, v8  }
0xa0: {  	v16 =	vor.u32 v49, v3;
	v15 =	vld.idx.msk [tilespmem:v43+s16+$0x0], $0xffff;
	v17 =	vor.u32 v26, v9  }
0xa1: {  	v44 =	vor.u32 v26, v24;
	v20 =	vor.u32 v23, v7;
	v19 =	vld.idx.msk [tilespmem:v21+s16+$0x0], $0xffff  }
0xa2: {  	v21 =	vor.u32 v29, v6  }
0xa3: {  	[tilespmem:v11+s19+$0x0] =	vst.idx.msk $0xffff, v10  }
0xa4: {  	v11 =	vor.u32 v23, v0;
	[tilespmem:v14+s19+$0x0] =	vst.idx.msk $0xffff, v12;
	v10 =	vld.idx.msk [tilespmem:v13+s16+$0x0], $0xffff  }
0xa5: {  	v14 =	vor.u32 v23, v4;
	[tilespmem:v16+s19+$0x0] =	vst.idx.msk $0xffff, v15;
	v12 =	vld.idx.msk [tilespmem:v17+s16+$0x0], $0xffff;
	v13 =	vor.u32 v29, v1  }
0xa6: {  	v16 =	vor.u32 v23, v3;
	v15 =	vld.idx.msk [tilespmem:v44+s16+$0x0], $0xffff;
	v17 =	vor.u32 v29, v5;
	[tilespmem:v20+s19+$0x0] =	vst.idx.msk $0xffff, v19  }
0xa7: {  	v47 =	vor.u32 v29, v2;
	v20 =	vor.u32 v41, v7;
	v46 =	vld.idx.msk [tilespmem:v21+s16+$0x0], $0xffff  }
0xa8: {  	v21 =	vor.u32 v28, v6  }
0xa9: {  	[tilespmem:v11+s19+$0x0] =	vst.idx.msk $0xffff, v10  }
0xaa: {  	[tilespmem:v14+s19+$0x0] =	vst.idx.msk $0xffff, v12;
	v11 =	vor.u32 v41, v0;
	v10 =	vld.idx.msk [tilespmem:v13+s16+$0x0], $0xffff  }
0xab: {  	[tilespmem:v16+s19+$0x0] =	vst.idx.msk $0xffff, v15;
	v14 =	vor.u32 v41, v4;
	v12 =	vld.idx.msk [tilespmem:v17+s16+$0x0], $0xffff;
	v13 =	vor.u32 v28, v1  }
0xac: {  	v15 =	vor.u32 v28, v5;
	v16 =	vld.idx.msk [tilespmem:v47+s16+$0x0], $0xffff;
	v17 =	vor.u32 v41, v3;
	[tilespmem:v20+s19+$0x0] =	vst.idx.msk $0xffff, v46  }
0xad: {  	v48 =	vor.u32 v28, v2;
	v20 =	vor.u32 v40, v7;
	v18 =	vld.idx.msk [tilespmem:v21+s16+$0x0], $0xffff  }
0xae: {  	v21 =	vor.u32 v27, v6  }
0xaf: {  	[tilespmem:v11+s19+$0x0] =	vst.idx.msk $0xffff, v10  }
0xb0: {  	[tilespmem:v14+s19+$0x0] =	vst.idx.msk $0xffff, v12;
	v11 =	vor.u32 v40, v0;
	v10 =	vld.idx.msk [tilespmem:v13+s16+$0x0], $0xffff  }
0xb1: {  	v14 =	vor.u32 v40, v4;
	[tilespmem:v17+s19+$0x0] =	vst.idx.msk $0xffff, v16;
	v12 =	vld.idx.msk [tilespmem:v15+s16+$0x0], $0xffff;
	v13 =	vor.u32 v27, v1  }
0xb2: {  	v17 =	vor.u32 v40, v3;
	v15 =	vor.u32 v27, v5;
	v16 =	vld.idx.msk [tilespmem:v48+s16+$0x0], $0xffff;
	[tilespmem:v20+s19+$0x0] =	vst.idx.msk $0xffff, v18  }
0xb3: {  	v49 =	vor.u32 v27, v2;
	v20 =	vor.u32 v50, v7;
	v18 =	vld.idx.msk [tilespmem:v21+s16+$0x0], $0xffff  }
0xb4: {  	v21 =	vor.u32 v52, v6  }
0xb5: {  	[tilespmem:v11+s19+$0x0] =	vst.idx.msk $0xffff, v10  }
0xb6: {  	[tilespmem:v14+s19+$0x0] =	vst.idx.msk $0xffff, v12;
	v11 =	vor.u32 v50, v0;
	v10 =	vld.idx.msk [tilespmem:v13+s16+$0x0], $0xffff  }
0xb7: {  	v14 =	vor.u32 v50, v4;
	[tilespmem:v17+s19+$0x0] =	vst.idx.msk $0xffff, v16;
	v12 =	vld.idx.msk [tilespmem:v15+s16+$0x0], $0xffff;
	v13 =	vor.u32 v52, v1  }
0xb8: {  	v17 =	vor.u32 v50, v3;
	v15 =	vor.u32 v52, v5;
	v16 =	vld.idx.msk [tilespmem:v49+s16+$0x0], $0xffff;
	[tilespmem:v20+s19+$0x0] =	vst.idx.msk $0xffff, v18  }
0xb9: {  	v50 =	vor.u32 v52, v2;
	v20 =	vor.u32 v53, v7;
	v18 =	vld.idx.msk [tilespmem:v21+s16+$0x0], $0xffff  }
0xba: {  	v21 =	vor.u32 v39, v6  }
0xbb: {  	[tilespmem:v11+s19+$0x0] =	vst.idx.msk $0xffff, v10  }
0xbc: {  	[tilespmem:v14+s19+$0x0] =	vst.idx.msk $0xffff, v12;
	v11 =	vor.u32 v53, v0;
	v10 =	vld.idx.msk [tilespmem:v13+s16+$0x0], $0xffff  }
0xbd: {  	v14 =	vor.u32 v53, v4;
	[tilespmem:v17+s19+$0x0] =	vst.idx.msk $0xffff, v16;
	v12 =	vld.idx.msk [tilespmem:v15+s16+$0x0], $0xffff;
	v13 =	vor.u32 v39, v1  }
0xbe: {  	v17 =	vor.u32 v53, v3;
	v15 =	vor.u32 v39, v5;
	v16 =	vld.idx.msk [tilespmem:v50+s16+$0x0], $0xffff;
	[tilespmem:v20+s19+$0x0] =	vst.idx.msk $0xffff, v18  }
0xbf: {  	v51 =	vor.u32 v39, v2;
	v20 =	vor.u32 v54, v7;
	v18 =	vld.idx.msk [tilespmem:v21+s16+$0x0], $0xffff  }
0xc0: {  	v21 =	vor.u32 v38, v6  }
0xc1: {  	[tilespmem:v11+s19+$0x0] =	vst.idx.msk $0xffff, v10  }
0xc2: {  	[tilespmem:v14+s19+$0x0] =	vst.idx.msk $0xffff, v12;
	v11 =	vor.u32 v54, v0;
	v10 =	vld.idx.msk [tilespmem:v13+s16+$0x0], $0xffff  }
0xc3: {  	v14 =	vor.u32 v54, v4;
	[tilespmem:v17+s19+$0x0] =	vst.idx.msk $0xffff, v16;
	v12 =	vld.idx.msk [tilespmem:v15+s16+$0x0], $0xffff;
	v13 =	vor.u32 v38, v1  }
0xc4: {  	v17 =	vor.u32 v54, v3;
	v15 =	vor.u32 v38, v5;
	v16 =	vld.idx.msk [tilespmem:v51+s16+$0x0], $0xffff;
	[tilespmem:v20+s19+$0x0] =	vst.idx.msk $0xffff, v18  }
0xc5: {  	v52 =	vor.u32 v38, v2;
	v20 =	vor.u32 v55, v7;
	v18 =	vld.idx.msk [tilespmem:v21+s16+$0x0], $0xffff  }
0xc6: {  	v21 =	vor.u32 v57, v6  }
0xc7: {  	[tilespmem:v11+s19+$0x0] =	vst.idx.msk $0xffff, v10  }
0xc8: {  	[tilespmem:v14+s19+$0x0] =	vst.idx.msk $0xffff, v12;
	v11 =	vor.u32 v55, v0;
	v10 =	vld.idx.msk [tilespmem:v13+s16+$0x0], $0xffff  }
0xc9: {  	v14 =	vor.u32 v55, v4;
	[tilespmem:v17+s19+$0x0] =	vst.idx.msk $0xffff, v16;
	v12 =	vld.idx.msk [tilespmem:v15+s16+$0x0], $0xffff  }
0xca: {  	v17 =	vor.u32 v55, v3;
	v13 =	vor.u32 v57, v1;
	v16 =	vld.idx.msk [tilespmem:v52+s16+$0x0], $0xffff;
	[tilespmem:v20+s19+$0x0] =	vst.idx.msk $0xffff, v18  }
0xcb: {  	v15 =	vor.u32 v57, v5;
	v20 =	vor.u32 v60, v7;
	v18 =	vld.idx.msk [tilespmem:v21+s16+$0x0], $0xffff;
	_ =	sdelay $0x1  }
0xcc: {  	[tilespmem:v11+s19+$0x0] =	vst.idx.msk $0xffff, v10  }
0xcd: {  	[tilespmem:v14+s19+$0x0] =	vst.idx.msk $0xffff, v12  }
0xce: {  	[tilespmem:v17+s19+$0x0] =	vst.idx.msk $0xffff, v16;
	v10 =	vld.idx.msk [tilespmem:v13+s16+$0x0], $0xffff  }
0xcf: {  	v53 =	vor.u32 v57, v2;
	v12 =	vld.idx.msk [tilespmem:v15+s16+$0x0], $0xffff;
	[tilespmem:v20+s19+$0x0] =	vst.idx.msk $0xffff, v18  }
0xd0: {  	v21 =	vor.u32 v56, v6;
	v55 =	vld [tilespmem:$0x1FC40]  }
0xd1: {  	v54 =	vor.u32 v56, v2;
	v13 =	vor.u32 v56, v1;
	v15 =	vor.u32 v56, v5;
	v56 =	vld [tilespmem:$0x1FC50]  }
0xd2: {  	v11 =	vor.u32 v60, v0  }
0xd3: {  	v14 =	vor.u32 v60, v4  }
0xd4: {  	v17 =	vor.u32 v60, v3;
	v16 =	vld.idx.msk [tilespmem:v53+s16+$0x0], $0xffff  }
0xd5: {  	v18 =	vld.idx.msk [tilespmem:v21+s16+$0x0], $0xffff;
	v20 =	vor.u32 v55, v7  }
0xd6: {  	v21 =	vor.u32 v56, v25  }
0xd7: {  	[tilespmem:v11+s19+$0x0] =	vst.idx.msk $0xffff, v10  }
0xd8: {  	[tilespmem:v14+s19+$0x0] =	vst.idx.msk $0xffff, v12;
	v10 =	vld.idx.msk [tilespmem:v13+s16+$0x0], $0xffff;
	v11 =	vor.u32 v55, v0  }
0xd9: {  	[tilespmem:v17+s19+$0x0] =	vst.idx.msk $0xffff, v16;
	v12 =	vld.idx.msk [tilespmem:v15+s16+$0x0], $0xffff;
	v13 =	vor.u32 v56, v8;
	v14 =	vor.u32 v55, v4  }
0xda: {  	v16 =	vld.idx.msk [tilespmem:v54+s16+$0x0], $0xffff;
	v15 =	vor.u32 v56, v9;
	v17 =	vor.u32 v55, v3;
	[tilespmem:v20+s19+$0x0] =	vst.idx.msk $0xffff, v18  }
0xdb: {  	v57 =	vor.u32 v56, v24;
	v20 =	vor.u32 v61, v7;
	v18 =	vld.idx.msk [tilespmem:v21+s16+$0x0], $0xffff  }
0xdc: {  	v21 =	vor.u32 v37, v25  }
0xdd: {  	[tilespmem:v11+s19+$0x0] =	vst.idx.msk $0xffff, v10  }
0xde: {  	[tilespmem:v14+s19+$0x0] =	vst.idx.msk $0xffff, v12;
	v11 =	vor.u32 v61, v0;
	v10 =	vld.idx.msk [tilespmem:v13+s16+$0x0], $0xffff  }
0xdf: {  	v14 =	vor.u32 v61, v4;
	[tilespmem:v17+s19+$0x0] =	vst.idx.msk $0xffff, v16;
	v12 =	vld.idx.msk [tilespmem:v15+s16+$0x0], $0xffff;
	v13 =	vor.u32 v37, v8  }
0xe0: {  	v17 =	vor.u32 v61, v3;
	v15 =	vor.u32 v37, v9;
	v16 =	vld.idx.msk [tilespmem:v57+s16+$0x0], $0xffff;
	[tilespmem:v20+s19+$0x0] =	vst.idx.msk $0xffff, v18  }
0xe1: {  	v59 =	vor.u32 v37, v24;
	v20 =	vor.u32 v58, v7;
	v18 =	vld.idx.msk [tilespmem:v21+s16+$0x0], $0xffff  }
0xe2: {  	v21 =	vor.u32 v36, v25  }
0xe3: {  	[tilespmem:v11+s19+$0x0] =	vst.idx.msk $0xffff, v10  }
0xe4: {  	[tilespmem:v14+s19+$0x0] =	vst.idx.msk $0xffff, v12;
	v27 =	vld.idx.msk [tilespmem:v13+s16+$0x0], $0xffff  }
0xe5: {  	v62 =	vor.u32 v36, v24;
	[tilespmem:v17+s19+$0x0] =	vst.idx.msk $0xffff, v16;
	v28 =	vld.idx.msk [tilespmem:v15+s16+$0x0], $0xffff  }
0xe6: {  	v26 =	vor.u32 v63, v9;
	v29 =	vor.u32 v58, v3;
	v23 =	vld.idx.msk [tilespmem:v59+s16+$0x0], $0xffff;
	[tilespmem:v20+s19+$0x0] =	vst.idx.msk $0xffff, v18  }
0xe7: {  	s28 =	simm.s32 $0x4;
	v11 =	vor.u32 v30, v7;
	v12 =	vor.u32 v58, v4;
	v15 =	vor.u32 v36, v9;
	v22 =	vld.idx.msk [tilespmem:v21+s16+$0x0], $0xffff  }
.LBB2_4:
0xe8: {  	v51 =	vld [tilespmem:$0x1FD90]  }
0xe9: {  	v47 =	vld [tilespmem:$0x1FD20]  }
0xea: {  	v48 =	vld [tilespmem:$0x1FED0]  }
0xeb: {  	v49 =	vld [tilespmem:$0x1FEF0]  }
0xec: {  	s31 =	smov.u32 s28;
	v44 =	vld [tilespmem:$0x1FD10]  }
0xed: {  	v18 =	vadd.s32 s28, v45;
	v53 =	vld [tilespmem:$0x1FDA0];
	s31 =	sadd.s32 $0x2, s31  }
0xee: {  	v50 =	vld [tilespmem:$0x1FC60];
	v21 =	vand.u32 $0xF, v18;
	v13 =	vadd.s32 s31, v45  }
0xef: {  	s29 =	sadd.s32 $0x1, s28;
	v54 =	vld [tilespmem:$0x1FE80];
	v10 =	vor.u32 v36, v21;
	v16 =	vand.u32 $0xF, v13  }
0xf0: {  	v55 =	vld [tilespmem:$0x1FDB0];
	v19 =	vadd.s32 s29, v45;
	[tilespmem:$0x1FC00] =	vst v10;
	v34 =	vor.u32 v35, v16  }
0xf1: {  	v10 =	vld [tilespmem:$0x1FEA0];
	[tilespmem:v12+s19+$0x0] =	vst.idx.msk $0xffff, v28;
	v12 =	vand.u32 $0xF, v19;
	v30 =	vor.u32 v51, v25  }
0xf2: {  	[tilespmem:v29+s19+$0x0] =	vst.idx.msk $0xffff, v23;
	v28 =	vld.idx.msk [tilespmem:v15+s16+$0x0], $0xffff;
	v32 =	vor.u32 v35, v12  }
0xf3: {  	s30 =	sadd.s32 $0x3, s28;
	v33 =	vor.u32 v35, v21;
	v31 =	vor.u32 v47, v4;
	v58 =	vld.idx.msk [tilespmem:v62+s16+$0x0], $0xffff  }
0xf4: {  	v20 =	vadd.s32 s30, v45;
	v62 =	vld [tilespmem:$0x1FEE0];
	v40 =	vor.u32 v49, v0  }
0xf5: {  	v14 =	vand.u32 $0xF, v20;
	[tilespmem:v11+s19+$0x0] =	vst.idx.msk $0xffff, v22;
	v59 =	vor.u32 v47, v3;
	v34 =	vld.idx.msk [tilespmem:v34+s16+$0x0], $0xffff  }
0xf6: {  	v17 =	vshll.u32 v16, $0x7;
	v29 =	vor.u32 v35, v14;
	v30 =	vld.idx.msk [tilespmem:v30+s16+$0x0], $0xffff  }
0xf7: {  	v37 =	vor.u32 v51, v24;
	v43 =	vor.u32 v45, v17;
	v44 =	vor.u32 v44, v8;
	v32 =	vld.idx.msk [tilespmem:v32+s16+$0x0], $0xffff  }
0xf8: {  	v42 =	vor.u32 v10, v12;
	v63 =	vor.u32 v10, v16;
	[tilespmem:v31+s19+$0x0] =	vst.idx.msk $0xffff, v28;
	v28 =	vld.idx.msk [tilespmem:v33+s16+$0x0], $0xffff  }
0xf9: {  	v35 =	vor.u32 v10, v14;
	[tilespmem:v40+s19+$0x0] =	vst.idx.msk $0xffff, v27;
	v27 =	vor.u32 v10, v21;
	v10 =	vld [tilespmem:$0x1FF70]  }
0xfa: {  	v39 =	vor.u32 v48, v7;
	[tilespmem:v59+s19+$0x0] =	vst.idx.msk $0xffff, v58;
	v59 =	vld [tilespmem:$0x1FC10]  }
0xfb: {  	v23 =	vshll.u32 v12, $0x7;
	v38 =	vor.u32 v62, v25;
	v29 =	vld.idx.msk [tilespmem:v29+s16+$0x0], $0xffff  }
0xfc: {  	v61 =	vor.u32 v51, v9;
	v31 =	vor.u32 v45, v23;
	v36 =	vld.idx.msk [tilespmem:v37+s16+$0x0], $0xffff  }
0xfd: {  	v22 =	vshll.u32 v21, $0x7;
	[tilespmem:v43+s19+$0x0] =	vst.idx.msk $0xffff, v34;
	v43 =	vld [tilespmem:$0x1FC80]  }
0xfe: {  	v46 =	vlaneseq.u32;
	v15 =	vshll.u32 v14, $0x7;
	v41 =	vor.u32 v45, v22;
	v34 =	vld.idx.msk [tilespmem:v44+s16+$0x0], $0xffff  }
0xff: {  	v46 =	vor.u32 v46, v15;
	[tilespmem:v39+s19+$0x0] =	vst.idx.msk $0xffff, v30;
	v44 =	vld [tilespmem:$0x1FC90]  }
0x100: {  	v30 =	vor.u32 v48, v3;
	v38 =	vld.idx.msk [tilespmem:v38+s16+$0x0], $0xffff  }
0x101: {  	[tilespmem:v31+s19+$0x0] =	vst.idx.msk $0xffff, v32;
	v31 =	vor.u32 v50, v7;
	v32 =	vld.idx.msk [tilespmem:v61+s16+$0x0], $0xffff  }
0x102: {  	v56 =	vor.u32 v53, v25;
	v57 =	vor.u32 v48, v4;
	v37 =	vor.u32 v62, v24;
	v61 =	vld.idx.msk [tilespmem:v63+s16+$0x0], $0xffff  }
0x103: {  	[tilespmem:v41+s19+$0x0] =	vst.idx.msk $0xffff, v28;
	v28 =	vor.u32 v10, v22;
	v58 =	vor.u32 v10, v23;
	v33 =	vld.idx.msk [tilespmem:v42+s16+$0x0], $0xffff  }
0x104: {  	v63 =	vor.u32 v10, v17;
	[tilespmem:v46+s19+$0x0] =	vst.idx.msk $0xffff, v29;
	v46 =	vor.u32 v10, v15;
	v10 =	vld [tilespmem:$0x1FF80]  }
0x105: {  	v35 =	vld.idx.msk [tilespmem:v35+s16+$0x0], $0xffff;
	[tilespmem:v30+s19+$0x0] =	vst.idx.msk $0xffff, v36  }
0x106: {  	v60 =	vor.u32 v59, v12;
	v27 =	vld.idx.msk [tilespmem:v27+s16+$0x0], $0xffff;
	[tilespmem:v31+s19+$0x0] =	vst.idx.msk $0xffff, v38  }
0x107: {  	v42 =	vor.u32 v47, v0;
	[tilespmem:v57+s19+$0x0] =	vst.idx.msk $0xffff, v32;
	v36 =	vld.idx.msk [tilespmem:v56+s16+$0x0], $0xffff  }
0x108: {  	[tilespmem:v58+s19+$0x0] =	vst.idx.msk $0xffff, v33;
	v33 =	vld.idx.msk [tilespmem:v37+s16+$0x0], $0xffff  }
0x109: {  	v30 =	vor.u32 v59, v14;
	v26 =	vld.idx.msk [tilespmem:v26+s16+$0x0], $0xffff  }
0x10a: {  	v29 =	vor.u32 v59, v16;
	v32 =	vor.u32 v59, v21;
	[tilespmem:v46+s19+$0x0] =	vst.idx.msk $0xffff, v35;
	v46 =	vld [tilespmem:$0x1FCA0]  }
0x10b: {  	v38 =	vor.u32 v54, v25;
	v39 =	vor.u32 v10, v22;
	v58 =	vor.u32 v50, v3;
	v57 =	vld.idx.msk [tilespmem:v60+s16+$0x0], $0xffff  }
0x10c: {  	v59 =	vor.u32 v10, v23;
	v56 =	vor.u32 v55, v7;
	[tilespmem:v42+s19+$0x0] =	vst.idx.msk $0xffff, v34;
	v60 =	vld [tilespmem:$0x1FF10]  }
0x10d: {  	v35 =	vor.u32 v10, v15;
	[tilespmem:v63+s19+$0x0] =	vst.idx.msk $0xffff, v61;
	v63 =	vor.u32 v10, v17;
	v10 =	vld [tilespmem:$0x1FD80]  }
0x10e: {  	v31 =	vor.u32 v53, v24;
	v42 =	vor.u32 v50, v4;
	[tilespmem:v28+s19+$0x0] =	vst.idx.msk $0xffff, v27;
	v27 =	vld.idx.msk [tilespmem:v30+s16+$0x0], $0xffff  }
0x10f: {  	v28 =	vor.u32 v53, v9;
	v30 =	vld.idx.msk [tilespmem:v32+s16+$0x0], $0xffff  }
0x110: {  	[tilespmem:v58+s19+$0x0] =	vst.idx.msk $0xffff, v33;
	v58 =	vld [tilespmem:$0x1FE90]  }
0x111: {  	v29 =	vld.idx.msk [tilespmem:v29+s16+$0x0], $0xffff;
	[tilespmem:v56+s19+$0x0] =	vst.idx.msk $0xffff, v36;
	v61 =	vor.u32 v60, v12  }
0x112: {  	v32 =	vor.u32 v60, v16;
	v33 =	vld.idx.msk [tilespmem:v38+s16+$0x0], $0xffff  }
0x113: {  	[tilespmem:v42+s19+$0x0] =	vst.idx.msk $0xffff, v26;
	v36 =	vor.u32 v60, v14;
	v31 =	vld.idx.msk [tilespmem:v31+s16+$0x0], $0xffff  }
0x114: {  	v52 =	vor.u32 v60, v21;
	v28 =	vld.idx.msk [tilespmem:v28+s16+$0x0], $0xffff;
	[tilespmem:v35+s19+$0x0] =	vst.idx.msk $0xffff, v27;
	v27 =	vor.u32 v55, v4  }
0x115: {  	[tilespmem:v59+s19+$0x0] =	vst.idx.msk $0xffff, v57;
	v57 =	vld [tilespmem:$0x1FDC0];
	v59 =	vor.u32 v58, v7  }
0x116: {  	v11 =	vor.u32 v47, v23;
	v47 =	vor.u32 v54, v9;
	[tilespmem:v63+s19+$0x0] =	vst.idx.msk $0xffff, v29;
	v60 =	vld.idx.msk [tilespmem:v61+s16+$0x0], $0xffff  }
0x117: {  	v25 =	vor.u32 v10, v25;
	v61 =	vor.u32 v55, v3;
	v32 =	vld.idx.msk [tilespmem:v32+s16+$0x0], $0xffff  }
0x118: {  	v42 =	vor.u32 v43, v15;
	[tilespmem:v39+s19+$0x0] =	vst.idx.msk $0xffff, v30;
	v35 =	vld.idx.msk [tilespmem:v36+s16+$0x0], $0xffff  }
0x119: {  	v26 =	vor.u32 v43, v23;
	v29 =	vor.u32 v54, v24;
	v37 =	vld.idx.msk [tilespmem:v52+s16+$0x0], $0xffff;
	[tilespmem:v27+s19+$0x0] =	vst.idx.msk $0xffff, v28  }
0x11a: {  	v63 =	vor.u32 v44, v12;
	[tilespmem:v59+s19+$0x0] =	vst.idx.msk $0xffff, v33;
	v59 =	vld [tilespmem:$0x1FDD0]  }
0x11b: {  	v30 =	vor.u32 v43, v17;
	v28 =	vld.idx.msk [tilespmem:v47+s16+$0x0], $0xffff  }
0x11c: {  	v39 =	vor.u32 v44, v16;
	[tilespmem:v61+s19+$0x0] =	vst.idx.msk $0xffff, v31;
	v25 =	vld.idx.msk [tilespmem:v25+s16+$0x0], $0xffff  }
0x11d: {  	v52 =	vor.u32 v44, v14;
	[tilespmem:v42+s19+$0x0] =	vst.idx.msk $0xffff, v35;
	v42 =	vld [tilespmem:$0x1FCB0]  }
0x11e: {  	v33 =	vor.u32 v43, v22;
	[tilespmem:v26+s19+$0x0] =	vst.idx.msk $0xffff, v60;
	v26 =	vld.idx.msk [tilespmem:v29+s16+$0x0], $0xffff  }
0x11f: {  	v31 =	vor.u32 v44, v21;
	v29 =	vor.u32 v57, v7;
	v38 =	vld.idx.msk [tilespmem:v63+s16+$0x0], $0xffff  }
0x120: {  	v60 =	vor.u32 v58, v3;
	[tilespmem:v30+s19+$0x0] =	vst.idx.msk $0xffff, v32;
	v63 =	vld [tilespmem:$0x1FF90];
	v61 =	vor.u32 v59, v6  }
0x121: {  	v35 =	vor.u32 v58, v4;
	v32 =	vld.idx.msk [tilespmem:v39+s16+$0x0], $0xffff  }
0x122: {  	v24 =	vor.u32 v10, v24;
	v34 =	vld.idx.msk [tilespmem:v52+s16+$0x0], $0xffff  }
0x123: {  	v52 =	vor.u32 v51, v8;
	v51 =	vld [tilespmem:$0x1FF20];
	[tilespmem:v33+s19+$0x0] =	vst.idx.msk $0xffff, v37;
	v33 =	vor.u32 v46, v17  }
0x124: {  	v56 =	vor.u32 v46, v15;
	v31 =	vld.idx.msk [tilespmem:v31+s16+$0x0], $0xffff;
	[tilespmem:v29+s19+$0x0] =	vst.idx.msk $0xffff, v25  }
0x125: {  	v37 =	vor.u32 v63, v16;
	v25 =	vor.u32 v46, v22;
	[tilespmem:v60+s19+$0x0] =	vst.idx.msk $0xffff, v26;
	v26 =	vld.idx.msk [tilespmem:v61+s16+$0x0], $0xffff  }
0x126: {  	v27 =	vor.u32 v46, v23;
	[tilespmem:v35+s19+$0x0] =	vst.idx.msk $0xffff, v28;
	v61 =	vld [tilespmem:$0x1FDE0]  }
0x127: {  	v30 =	vor.u32 v63, v12;
	v29 =	vor.u32 v63, v14;
	v40 =	vor.u32 v63, v21;
	v63 =	vld [tilespmem:$0x1FDF0]  }
0x128: {  	v24 =	vld.idx.msk [tilespmem:v24+s16+$0x0], $0xffff;
	[tilespmem:v33+s19+$0x0] =	vst.idx.msk $0xffff, v32  }
0x129: {  	[tilespmem:v56+s19+$0x0] =	vst.idx.msk $0xffff, v34;
	v56 =	vor.u32 v48, v0;
	v33 =	vld.idx.msk [tilespmem:v52+s16+$0x0], $0xffff  }
0x12a: {  	v36 =	vld.idx.msk [tilespmem:v37+s16+$0x0], $0xffff;
	[tilespmem:v25+s19+$0x0] =	vst.idx.msk $0xffff, v31;
	v25 =	vor.u32 v42, v17  }
0x12b: {  	v47 =	vld [tilespmem:$0x1FE10];
	[tilespmem:v27+s19+$0x0] =	vst.idx.msk $0xffff, v38;
	v31 =	vor.u32 v62, v8;
	v27 =	vor.u32 v61, v7  }
0x12c: {  	v48 =	vld [tilespmem:$0x1FE00];
	v38 =	vor.u32 v57, v3;
	v60 =	vor.u32 v63, v6  }
0x12d: {  	v28 =	vor.u32 v42, v23;
	v32 =	vor.u32 v59, v2;
	v30 =	vld.idx.msk [tilespmem:v30+s16+$0x0], $0xffff  }
0x12e: {  	v29 =	vld.idx.msk [tilespmem:v29+s16+$0x0], $0xffff;
	[tilespmem:v56+s19+$0x0] =	vst.idx.msk $0xffff, v33  }
0x12f: {  	v52 =	vor.u32 v51, v12;
	v37 =	vld.idx.msk [tilespmem:v40+s16+$0x0], $0xffff;
	[tilespmem:v25+s19+$0x0] =	vst.idx.msk $0xffff, v36  }
0x130: {  	v31 =	vld.idx.msk [tilespmem:v31+s16+$0x0], $0xffff;
	[tilespmem:v27+s19+$0x0] =	vst.idx.msk $0xffff, v26  }
0x131: {  	v39 =	vor.u32 v51, v16;
	[tilespmem:v38+s19+$0x0] =	vst.idx.msk $0xffff, v24;
	v24 =	vld.idx.msk [tilespmem:v60+s16+$0x0], $0xffff  }
0x132: {  	v40 =	vor.u32 v42, v15;
	[tilespmem:v28+s19+$0x0] =	vst.idx.msk $0xffff, v30;
	v28 =	vld.idx.msk [tilespmem:v32+s16+$0x0], $0xffff  }
0x133: {  	v26 =	vor.u32 v42, v22;
	v27 =	vor.u32 v51, v14;
	v60 =	vor.u32 v51, v21;
	v51 =	vld [tilespmem:$0x1FFA0]  }
0x134: {  	v30 =	vor.u32 v48, v7;
	v32 =	vld.idx.msk [tilespmem:v52+s16+$0x0], $0xffff  }
0x135: {  	v35 =	vor.u32 v61, v3;
	v52 =	vld [tilespmem:$0x1FC20]  }
0x136: {  	v36 =	vld.idx.msk [tilespmem:v39+s16+$0x0], $0xffff  }
0x137: {  	[tilespmem:v40+s19+$0x0] =	vst.idx.msk $0xffff, v29;
	v29 =	vor.u32 v50, v0;
	v50 =	vld [tilespmem:$0x1FE20]  }
0x138: {  	v41 =	vor.u32 v47, v6;
	v25 =	vor.u32 v63, v2;
	[tilespmem:v26+s19+$0x0] =	vst.idx.msk $0xffff, v37;
	v27 =	vld.idx.msk [tilespmem:v27+s16+$0x0], $0xffff  }
0x139: {  	v37 =	vor.u32 v53, v8;
	v53 =	vld [tilespmem:$0x1FC30];
	v33 =	vor.u32 v51, v23;
	[tilespmem:v30+s19+$0x0] =	vst.idx.msk $0xffff, v24  }
0x13a: {  	v38 =	vld.idx.msk [tilespmem:v60+s16+$0x0], $0xffff;
	v60 =	vor.u32 v51, v15;
	[tilespmem:v35+s19+$0x0] =	vst.idx.msk $0xffff, v28;
	v56 =	vor.u32 v52, v12  }
0x13b: {  	v39 =	vor.u32 v52, v16;
	v30 =	vor.u32 v52, v14;
	v35 =	vor.u32 v52, v21;
	v52 =	vld [tilespmem:$0x1FE30]  }
0x13c: {  	v26 =	vor.u32 v51, v17;
	v24 =	vor.u32 v51, v22;
	v51 =	vld [tilespmem:$0x1FFC0]  }
0x13d: {  	v28 =	vld.idx.msk [tilespmem:v41+s16+$0x0], $0xffff  }
0x13e: {  	v25 =	vld.idx.msk [tilespmem:v25+s16+$0x0], $0xffff;
	[tilespmem:v33+s19+$0x0] =	vst.idx.msk $0xffff, v32  }
0x13f: {  	v32 =	vor.u32 v50, v7;
	[tilespmem:v60+s19+$0x0] =	vst.idx.msk $0xffff, v27;
	v60 =	vor.u32 v54, v8;
	v54 =	vld [tilespmem:$0x1FE40]  }
0x140: {  	v34 =	vor.u32 v48, v3;
	[tilespmem:v29+s19+$0x0] =	vst.idx.msk $0xffff, v31;
	v33 =	vld.idx.msk [tilespmem:v56+s16+$0x0], $0xffff;
	v41 =	vor.u32 v52, v6  }
0x141: {  	[tilespmem:v26+s19+$0x0] =	vst.idx.msk $0xffff, v36;
	v56 =	vld [tilespmem:$0x1FFB0]  }
0x142: {  	v31 =	vld.idx.msk [tilespmem:v37+s16+$0x0], $0xffff  }
0x143: {  	[tilespmem:v24+s19+$0x0] =	vst.idx.msk $0xffff, v38;
	v37 =	vld.idx.msk [tilespmem:v39+s16+$0x0], $0xffff  }
0x144: {  	v35 =	vld.idx.msk [tilespmem:v35+s16+$0x0], $0xffff;
	[tilespmem:v32+s19+$0x0] =	vst.idx.msk $0xffff, v28  }
0x145: {  	v26 =	vor.u32 v47, v2;
	v27 =	vor.u32 v55, v0;
	[tilespmem:v34+s19+$0x0] =	vst.idx.msk $0xffff, v25;
	v25 =	vld.idx.msk [tilespmem:v41+s16+$0x0], $0xffff  }
0x146: {  	v36 =	vor.u32 v53, v19;
	v29 =	vor.u32 v56, v23;
	v41 =	vld [tilespmem:$0x1FCC0]  }
0x147: {  	v24 =	vor.u32 v56, v17;
	v40 =	vor.u32 v56, v15;
	v28 =	vor.u32 v56, v22;
	v56 =	vld [tilespmem:$0x1FE50]  }
0x148: {  	v30 =	vld.idx.msk [tilespmem:v30+s16+$0x0], $0xffff;
	_ =	sdelay $0x1  }
0x149: {  	v34 =	vor.u32 v50, v3;
	v26 =	vld.idx.msk [tilespmem:v26+s16+$0x0], $0xffff;
	[tilespmem:v27+s19+$0x0] =	vst.idx.msk $0xffff, v31  }
0x14a: {  	[tilespmem:v29+s19+$0x0] =	vst.idx.msk $0xffff, v33;
	v29 =	vor.u32 v54, v7  }
0x14b: {  	v55 =	vor.u32 v56, v6;
	v31 =	vor.u32 v41, v23;
	[tilespmem:v24+s19+$0x0] =	vst.idx.msk $0xffff, v37;
	v33 =	vld.idx.msk [tilespmem:v36+s16+$0x0], $0xffff  }
0x14c: {  	[tilespmem:v40+s19+$0x0] =	vst.idx.msk $0xffff, v30;
	v24 =	vld.idx.msk [tilespmem:v60+s16+$0x0], $0xffff;
	v60 =	vor.u32 v51, v19  }
0x14d: {  	v9 =	vor.u32 v10, v9;
	v8 =	vor.u32 v10, v8;
	v10 =	vld [tilespmem:$0x1FF30];
	[tilespmem:v28+s19+$0x0] =	vst.idx.msk $0xffff, v35  }
0x14e: {  	v39 =	vor.u32 v53, v13;
	v40 =	vld [tilespmem:$0x1FCD0];
	[tilespmem:v34+s19+$0x0] =	vst.idx.msk $0xffff, v26  }
0x14f: {  	v32 =	vor.u32 v53, v20;
	v30 =	vor.u32 v58, v0;
	v58 =	vld [tilespmem:$0x1FE60];
	[tilespmem:v29+s19+$0x0] =	vst.idx.msk $0xffff, v25  }
0x150: {  	v26 =	vld.idx.msk [tilespmem:v55+s16+$0x0], $0xffff;
	[tilespmem:v31+s19+$0x0] =	vst.idx.msk $0xffff, v33  }
0x151: {  	v27 =	vor.u32 v53, v18;
	v53 =	vld.idx.msk [tilespmem:v60+s16+$0x0], $0xffff  }
0x152: {  	v60 =	vld [tilespmem:$0x1FE70]  }
0x153: {  	v28 =	vor.u32 v41, v17;
	v38 =	vld.idx.msk [tilespmem:v39+s16+$0x0], $0xffff  }
0x154: {  	v32 =	vld.idx.msk [tilespmem:v32+s16+$0x0], $0xffff;
	v39 =	vor.u32 v41, v15  }
0x155: {  	v35 =	vor.u32 v51, v13;
	v9 =	vld.idx.msk [tilespmem:v9+s16+$0x0], $0xffff  }
0x156: {  	v34 =	vor.u32 v41, v22;
	v27 =	vld.idx.msk [tilespmem:v27+s16+$0x0], $0xffff;
	v25 =	vor.u32 v51, v20;
	v31 =	vor.u32 v58, v7  }
0x157: {  	[tilespmem:v30+s19+$0x0] =	vst.idx.msk $0xffff, v24;
	v24 =	vor.u32 v51, v18;
	v51 =	vld [tilespmem:$0x1FD50];
	v55 =	vor.u32 v60, v6  }
0x158: {  	v29 =	vor.u32 v57, v4;
	[tilespmem:v28+s19+$0x0] =	vst.idx.msk $0xffff, v38;
	v38 =	vld [tilespmem:$0x1FCF0]  }
0x159: {  	[tilespmem:v39+s19+$0x0] =	vst.idx.msk $0xffff, v32;
	v32 =	vor.u32 v57, v0;
	v8 =	vld.idx.msk [tilespmem:v8+s16+$0x0], $0xffff  }
0x15a: {  	v33 =	vor.u32 v59, v5;
	v35 =	vld.idx.msk [tilespmem:v35+s16+$0x0], $0xffff  }
0x15b: {  	v57 =	vor.u32 v40, v17;
	v25 =	vld.idx.msk [tilespmem:v25+s16+$0x0], $0xffff;
	[tilespmem:v31+s19+$0x0] =	vst.idx.msk $0xffff, v26  }
0x15c: {  	v30 =	vor.u32 v40, v23;
	v59 =	vor.u32 v59, v1;
	[tilespmem:v34+s19+$0x0] =	vst.idx.msk $0xffff, v27;
	v31 =	vld.idx.msk [tilespmem:v55+s16+$0x0], $0xffff  }
0x15d: {  	v28 =	vor.u32 v10, v19;
	v27 =	vor.u32 v10, v20;
	[tilespmem:v29+s19+$0x0] =	vst.idx.msk $0xffff, v9;
	v55 =	vld [tilespmem:$0x1FD70]  }
0x15e: {  	v9 =	vor.u32 v10, v13;
	[tilespmem:v32+s19+$0x0] =	vst.idx.msk $0xffff, v8;
	v8 =	vor.u32 v10, v18;
	v10 =	vld [tilespmem:$0x1FFD0]  }
0x15f: {  	v29 =	vor.u32 v40, v15;
	v26 =	vld.idx.msk [tilespmem:v33+s16+$0x0], $0xffff  }
0x160: {  	v33 =	vor.u32 v61, v4;
	v24 =	vld.idx.msk [tilespmem:v24+s16+$0x0], $0xffff;
	[tilespmem:v57+s19+$0x0] =	vst.idx.msk $0xffff, v35  }
0x161: {  	v57 =	vld [tilespmem:$0x1FF40];
	[tilespmem:v30+s19+$0x0] =	vst.idx.msk $0xffff, v53;
	v30 =	vor.u32 v51, v7  }
0x162: {  	v36 =	vor.u32 v40, v22;
	v35 =	vld.idx.msk [tilespmem:v59+s16+$0x0], $0xffff;
	v37 =	vor.u32 v55, v6  }
0x163: {  	v28 =	vld.idx.msk [tilespmem:v28+s16+$0x0], $0xffff;
	v53 =	vor.u32 v10, v23  }
0x164: {  	v9 =	vld.idx.msk [tilespmem:v9+s16+$0x0], $0xffff;
	[tilespmem:v29+s19+$0x0] =	vst.idx.msk $0xffff, v25  }
0x165: {  	v25 =	vor.u32 v61, v0;
	v27 =	vld.idx.msk [tilespmem:v27+s16+$0x0], $0xffff;
	[tilespmem:v33+s19+$0x0] =	vst.idx.msk $0xffff, v26  }
0x166: {  	v34 =	vor.u32 v63, v5;
	v61 =	vld [tilespmem:$0x1FFE0];
	v29 =	vor.u32 v10, v17;
	[tilespmem:v30+s19+$0x0] =	vst.idx.msk $0xffff, v31  }
0x167: {  	v39 =	vor.u32 v63, v1;
	[tilespmem:v36+s19+$0x0] =	vst.idx.msk $0xffff, v24;
	v31 =	vld.idx.msk [tilespmem:v37+s16+$0x0], $0xffff  }
0x168: {  	[tilespmem:v53+s19+$0x0] =	vst.idx.msk $0xffff, v28;
	v53 =	vld [tilespmem:$0x1FD60]  }
0x169: {  	v33 =	vor.u32 v10, v15;
	v36 =	vor.u32 v10, v22;
	v10 =	vld [tilespmem:$0x1FD40];
	v26 =	vor.u32 v57, v13  }
0x16a: {  	v8 =	vld.idx.msk [tilespmem:v8+s16+$0x0], $0xffff;
	v59 =	vor.u32 v57, v19;
	[tilespmem:v25+s19+$0x0] =	vst.idx.msk $0xffff, v35  }
0x16b: {  	v24 =	vor.u32 v57, v20;
	v30 =	vld.idx.msk [tilespmem:v34+s16+$0x0], $0xffff;
	[tilespmem:v29+s19+$0x0] =	vst.idx.msk $0xffff, v9  }
0x16c: {  	v25 =	vor.u32 v57, v18;
	v34 =	vor.u32 v48, v4;
	v9 =	vld.idx.msk [tilespmem:v39+s16+$0x0], $0xffff  }
0x16d: {  	v39 =	vld [tilespmem:$0x1FCE0];
	v28 =	vor.u32 v53, v7  }
0x16e: {  	v6 =	vor.u32 v10, v6;
	[tilespmem:v33+s19+$0x0] =	vst.idx.msk $0xffff, v27;
	v27 =	vor.u32 v48, v0;
	v26 =	vld.idx.msk [tilespmem:v26+s16+$0x0], $0xffff  }
0x16f: {  	v63 =	vor.u32 v61, v23;
	v37 =	vld.idx.msk [tilespmem:v59+s16+$0x0], $0xffff  }
0x170: {  	v33 =	vor.u32 v61, v17;
	[tilespmem:v36+s19+$0x0] =	vst.idx.msk $0xffff, v8;
	v24 =	vld.idx.msk [tilespmem:v24+s16+$0x0], $0xffff  }
0x171: {  	v32 =	vor.u32 v47, v5;
	v35 =	vor.u32 v61, v22;
	v25 =	vld.idx.msk [tilespmem:v25+s16+$0x0], $0xffff;
	[tilespmem:v34+s19+$0x0] =	vst.idx.msk $0xffff, v30  }
0x172: {  	v48 =	vor.u32 v47, v1;
	v34 =	vor.u32 v61, v15;
	v59 =	vld [tilespmem:$0x1FD30];
	[tilespmem:v28+s19+$0x0] =	vst.idx.msk $0xffff, v31  }
0x173: {  	v61 =	vor.u32 v52, v2;
	[tilespmem:v27+s19+$0x0] =	vst.idx.msk $0xffff, v9;
	v6 =	vld.idx.msk [tilespmem:v6+s16+$0x0], $0xffff  }
0x174: {  	v29 =	vor.u32 v39, v19;
	[tilespmem:v63+s19+$0x0] =	vst.idx.msk $0xffff, v37;
	v63 =	vld [tilespmem:$0x1FF50]  }
0x175: {  	v47 =	vld [tilespmem:$0x1FF60];
	v30 =	vor.u32 v39, v13;
	[tilespmem:v33+s19+$0x0] =	vst.idx.msk $0xffff, v26  }
0x176: {  	v8 =	vor.u32 v39, v20;
	[tilespmem:v35+s19+$0x0] =	vst.idx.msk $0xffff, v25;
	v28 =	vld.idx.msk [tilespmem:v32+s16+$0x0], $0xffff;
	v31 =	vor.u32 v50, v4  }
0x177: {  	v26 =	vld.idx.msk [tilespmem:v48+s16+$0x0], $0xffff;
	[tilespmem:v34+s19+$0x0] =	vst.idx.msk $0xffff, v24;
	v24 =	vor.u32 v50, v0  }
0x178: {  	v25 =	vld.idx.msk [tilespmem:v61+s16+$0x0], $0xffff;
	v7 =	vor.u32 v59, v7;
	v32 =	vor.u32 v52, v5  }
0x179: {  	v9 =	vor.u32 v39, v18;
	v29 =	vld.idx.msk [tilespmem:v29+s16+$0x0], $0xffff;
	v27 =	vor.u32 v63, v23  }
0x17a: {  	v48 =	vor.u32 v38, v19;
	v30 =	vld.idx.msk [tilespmem:v30+s16+$0x0], $0xffff;
	v34 =	vor.u32 v63, v17  }
0x17b: {  	v57 =	vor.u32 v52, v1;
	v8 =	vld.idx.msk [tilespmem:v8+s16+$0x0], $0xffff;
	[tilespmem:v31+s19+$0x0] =	vst.idx.msk $0xffff, v28;
	v31 =	vor.u32 v63, v15  }
0x17c: {  	v52 =	vld [tilespmem:$0x1FFF0];
	v28 =	vor.u32 v38, v13;
	[tilespmem:v24+s19+$0x0] =	vst.idx.msk $0xffff, v26  }
0x17d: {  	v61 =	vor.u32 v54, v4;
	[tilespmem:v7+s19+$0x0] =	vst.idx.msk $0xffff, v6;
	v6 =	vld.idx.msk [tilespmem:v32+s16+$0x0], $0xffff;
	v7 =	vor.u32 v38, v20  }
0x17e: {  	v9 =	vld.idx.msk [tilespmem:v9+s16+$0x0], $0xffff;
	[tilespmem:v27+s19+$0x0] =	vst.idx.msk $0xffff, v29;
	v27 =	vor.u32 v54, v3  }
0x17f: {  	v35 =	vor.u32 v63, v22;
	v29 =	vor.u32 v56, v5;
	[tilespmem:v34+s19+$0x0] =	vst.idx.msk $0xffff, v30;
	v33 =	vld.idx.msk [tilespmem:v48+s16+$0x0], $0xffff  }
0x180: {  	v63 =	vor.u32 v56, v2;
	[tilespmem:v31+s19+$0x0] =	vst.idx.msk $0xffff, v8;
	v8 =	vor.u32 v54, v0;
	v30 =	vld.idx.msk [tilespmem:v57+s16+$0x0], $0xffff  }
0x181: {  	v24 =	vor.u32 v38, v18;
	v31 =	vor.u32 v52, v17;
	v28 =	vld.idx.msk [tilespmem:v28+s16+$0x0], $0xffff  }
0x182: {  	v26 =	vor.u32 v52, v23;
	v7 =	vld.idx.msk [tilespmem:v7+s16+$0x0], $0xffff;
	v57 =	vor.u32 v56, v1;
	[tilespmem:v61+s19+$0x0] =	vst.idx.msk $0xffff, v6  }
0x183: {  	v56 =	vld [tilespmem:$0x1FEB0];
	[tilespmem:v27+s19+$0x0] =	vst.idx.msk $0xffff, v25  }
0x184: {  	v61 =	vor.u32 v52, v15;
	v25 =	vld.idx.msk [tilespmem:v29+s16+$0x0], $0xffff;
	[tilespmem:v35+s19+$0x0] =	vst.idx.msk $0xffff, v9  }
0x185: {  	v50 =	vor.u32 v47, v19;
	[tilespmem:v8+s19+$0x0] =	vst.idx.msk $0xffff, v30;
	v27 =	vld.idx.msk [tilespmem:v63+s16+$0x0], $0xffff  }
0x186: {  	v29 =	vor.u32 v58, v4;
	v9 =	vor.u32 v47, v20;
	v24 =	vld.idx.msk [tilespmem:v24+s16+$0x0], $0xffff;
	[tilespmem:v31+s19+$0x0] =	vst.idx.msk $0xffff, v28  }
0x187: {  	v6 =	vor.u32 v47, v13;
	[tilespmem:v26+s19+$0x0] =	vst.idx.msk $0xffff, v33;
	v26 =	vor.u32 v58, v3;
	v28 =	vld.idx.msk [tilespmem:v57+s16+$0x0], $0xffff  }
0x188: {  	v52 =	vor.u32 v52, v22;
	v63 =	vor.u32 v60, v5;
	v57 =	vld [tilespmem:$0x1FF00]  }
0x189: {  	[tilespmem:v61+s19+$0x0] =	vst.idx.msk $0xffff, v7;
	v7 =	vor.u32 v58, v0  }
0x18a: {  	v54 =	vor.u32 v60, v2;
	v8 =	vor.u32 v47, v18;
	v34 =	vld.idx.msk [tilespmem:v50+s16+$0x0], $0xffff  }
0x18b: {  	v30 =	vor.u32 v56, v23;
	v58 =	vor.u32 v56, v17;
	v9 =	vld.idx.msk [tilespmem:v9+s16+$0x0], $0xffff;
	[tilespmem:v29+s19+$0x0] =	vst.idx.msk $0xffff, v25  }
0x18c: {  	v61 =	vor.u32 v60, v1;
	v6 =	vld.idx.msk [tilespmem:v6+s16+$0x0], $0xffff;
	v29 =	vor.u32 v56, v15;
	[tilespmem:v26+s19+$0x0] =	vst.idx.msk $0xffff, v27  }
0x18d: {  	v26 =	vld.idx.msk [tilespmem:v63+s16+$0x0], $0xffff;
	v31 =	vor.u32 v57, v19;
	v25 =	vor.u32 v57, v13;
	[tilespmem:v52+s19+$0x0] =	vst.idx.msk $0xffff, v24  }
0x18e: {  	v24 =	vor.u32 v57, v20;
	[tilespmem:v7+s19+$0x0] =	vst.idx.msk $0xffff, v28;
	v7 =	vor.u32 v57, v18;
	v57 =	vld [tilespmem:$0x1FC40]  }
0x18f: {  	v27 =	vld.idx.msk [tilespmem:v54+s16+$0x0], $0xffff  }
0x190: {  	v8 =	vld.idx.msk [tilespmem:v8+s16+$0x0], $0xffff  }
0x191: {  	v63 =	vor.u32 v51, v4;
	[tilespmem:v58+s19+$0x0] =	vst.idx.msk $0xffff, v6;
	v58 =	vld [tilespmem:$0x1FC50]  }
0x192: {  	[tilespmem:v30+s19+$0x0] =	vst.idx.msk $0xffff, v34;
	v30 =	vor.u32 v51, v3;
	v6 =	vld.idx.msk [tilespmem:v61+s16+$0x0], $0xffff  }
0x193: {  	[tilespmem:v29+s19+$0x0] =	vst.idx.msk $0xffff, v9;
	v9 =	vor.u32 v51, v0;
	v51 =	vld [tilespmem:$0x1FEC0]  }
0x194: {  	v52 =	vor.u32 v55, v5;
	v25 =	vld.idx.msk [tilespmem:v25+s16+$0x0], $0xffff;
	v29 =	vor.u32 v57, v17  }
0x195: {  	v54 =	vor.u32 v56, v22;
	v61 =	vor.u32 v55, v1;
	v31 =	vld.idx.msk [tilespmem:v31+s16+$0x0], $0xffff  }
0x196: {  	v28 =	vor.u32 v57, v23;
	v24 =	vld.idx.msk [tilespmem:v24+s16+$0x0], $0xffff;
	[tilespmem:v63+s19+$0x0] =	vst.idx.msk $0xffff, v26;
	v26 =	vor.u32 v58, v16  }
0x197: {  	[tilespmem:v30+s19+$0x0] =	vst.idx.msk $0xffff, v27  }
0x198: {  	v50 =	vor.u32 v53, v4;
	v56 =	vor.u32 v55, v2;
	[tilespmem:v9+s19+$0x0] =	vst.idx.msk $0xffff, v6  }
0x199: {  	v63 =	vor.u32 v57, v15;
	v60 =	vor.u32 v58, v12;
	v27 =	vld.idx.msk [tilespmem:v52+s16+$0x0], $0xffff;
	[tilespmem:v29+s19+$0x0] =	vst.idx.msk $0xffff, v25  }
0x19a: {  	v52 =	vor.u32 v53, v0;
	[tilespmem:v54+s19+$0x0] =	vst.idx.msk $0xffff, v8;
	v8 =	vor.u32 v58, v14;
	v25 =	vld.idx.msk [tilespmem:v61+s16+$0x0], $0xffff  }
0x19b: {  	[tilespmem:v28+s19+$0x0] =	vst.idx.msk $0xffff, v31;
	v28 =	vor.u32 v53, v3;
	v53 =	vor.u32 v51, v17;
	v26 =	vld.idx.msk [tilespmem:v26+s16+$0x0], $0xffff  }
0x19c: {  	v37 =	vld [tilespmem:$0x1FD00];
	v1 =	vor.u32 v10, v1  }
0x19d: {  	v30 =	vld.idx.msk [tilespmem:v56+s16+$0x0], $0xffff  }
0x19e: {  	v5 =	vor.u32 v10, v5;
	v7 =	vld.idx.msk [tilespmem:v7+s16+$0x0], $0xffff;
	v31 =	vor.u32 v57, v22;
	[tilespmem:v63+s19+$0x0] =	vst.idx.msk $0xffff, v24  }
0x19f: {  	v2 =	vor.u32 v10, v2;
	v32 =	vld.idx.msk [tilespmem:v60+s16+$0x0], $0xffff;
	[tilespmem:v52+s19+$0x0] =	vst.idx.msk $0xffff, v25  }
0x1a0: {  	v6 =	vor.u32 v58, v21;
	v9 =	vor.u32 v51, v23;
	v8 =	vld.idx.msk [tilespmem:v8+s16+$0x0], $0xffff;
	[tilespmem:v53+s19+$0x0] =	vst.idx.msk $0xffff, v26  }
0x1a1: {  	v29 =	vor.u32 v37, v12;
	[tilespmem:v50+s19+$0x0] =	vst.idx.msk $0xffff, v27;
	v58 =	vld.idx.msk [tilespmem:v1+s16+$0x0], $0xffff  }
0x1a2: {  	v54 =	vor.u32 v51, v15;
	[tilespmem:v28+s19+$0x0] =	vst.idx.msk $0xffff, v30;
	v1 =	vld [tilespmem:$0x1FD10]  }
0x1a3: {  	v4 =	vor.u32 v59, v4;
	v30 =	vld.idx.msk [tilespmem:v5+s16+$0x0], $0xffff;
	[tilespmem:v31+s19+$0x0] =	vst.idx.msk $0xffff, v7;
	v7 =	vor.u32 v37, v14  }
0x1a4: {  	v56 =	vor.u32 v51, v22;
	v3 =	vor.u32 v59, v3;
	v31 =	vld.idx.msk [tilespmem:v2+s16+$0x0], $0xffff  }
0x1a5: {  	v24 =	vmov v21;
	v27 =	vor.u32 v37, v16;
	[tilespmem:v9+s19+$0x0] =	vst.idx.msk $0xffff, v32;
	v55 =	vld.idx.msk [tilespmem:v6+s16+$0x0], $0xffff  }
0x1a6: {  	v57 =	vor.u32 v37, v24;
	v5 =	vmov v20;
	v20 =	vor.u32 v49, v23;
	v21 =	vld.idx.msk [tilespmem:v29+s16+$0x0], $0xffff  }
0x1a7: {  	v36 =	vld [tilespmem:$0x1FD10];
	[tilespmem:v54+s19+$0x0] =	vst.idx.msk $0xffff, v8;
	v26 =	vor.u32 v1, v12  }
0x1a8: {  	p2 =	slt.u32 s28, $0xC;
	v59 =	vor.u32 v59, v0;
	v28 =	vld.idx.msk [tilespmem:v7+s16+$0x0], $0xffff;
	[tilespmem:v4+s19+$0x0] =	vst.idx.msk $0xffff, v30  }
.Ltmp5:
0x1a9: {  	v35 =	vld [tilespmem:$0x1FC70];
	[tilespmem:v3+s19+$0x0] =	vst.idx.msk $0xffff, v31;
	(pc) =	sbr.rel @p2 .LBB2_4-.Ltmp5, $4  }
0x1aa: {  	v0 =	vmov v17;
	v25 =	vmov v12;
	v9 =	vmov v14;
	v27 =	vld.idx.msk [tilespmem:v27+s16+$0x0], $0xffff;
	[tilespmem:v56+s19+$0x0] =	vst.idx.msk $0xffff, v55  }
0x1ab: {  	v2 =	vmovc v18;
	v6 =	vmov v19;
	v8 =	vmov v16;
	v7 =	vmov v23;
	[tilespmem:v20+s19+$0x0] =	vst.idx.msk $0xffff, v21;
	v23 =	vld.idx.msk [tilespmem:v57+s16+$0x0], $0xffff  }
0x1ac: {  	s26 =	sadd.s32 $0x4, s28;
	v4 =	vmovc v15;
	v3 =	vmov v22;
	v12 =	vor.u32 v49, v15;
	v15 =	vor.u32 v36, v9;
	v22 =	vld.idx.msk [tilespmem:v26+s16+$0x0], $0xffff  }
0x1ad: {  	s28 =	smov.u32 s26;
	v45 =	vlaneseq.u32;
	v1 =	vmovc v13;
	v29 =	vor.u32 v49, v3;
	[tilespmem:v59+s19+$0x0] =	vst.idx.msk $0xffff, v58;
	v26 =	vor.u32 v62, v9;
	v62 =	vld [tilespmem:$0x1FC00]  }
0x1ae: {  	v10 =	vld [tilespmem:$0x1FEF0];
	_ =	sdelay $0x3  }
0x1af: {  	[tilespmem:v12+s19+$0x0] =	vst.idx.msk $0xffff, v28  }
0x1b0: {  	v31 =	vld [tilespmem:$0x1FD90];
	v13 =	vor.u32 v10, v0  }
0x1b1: {  	v19 =	vld [tilespmem:$0x1FD20];
	_ =	sdelay $0x1  }
0x1b2: {  	[tilespmem:v29+s19+$0x0] =	vst.idx.msk $0xffff, v23  }
0x1b3: {  	[tilespmem:v11+s19+$0x0] =	vst.idx.msk $0xffff, v22  }
0x1b4: {  	v14 =	vor.u32 v36, v8;
	v15 =	vld.idx.msk [tilespmem:v15+s16+$0x0], $0xffff;
	[tilespmem:v13+s19+$0x0] =	vst.idx.msk $0xffff, v27  }
0x1b5: {  	v63 =	vor.u32 v31, v25;
	v16 =	vor.u32 v19, v4;
	v59 =	vld [tilespmem:$0x1FED0];
	_ =	sdelay $0x2  }
0x1b6: {  	v32 =	vld.idx.msk [tilespmem:v62+s16+$0x0], $0xffff;
	v17 =	vor.u32 v19, v3  }
0x1b7: {  	v19 =	vor.u32 v19, v0;
	v14 =	vld.idx.msk [tilespmem:v14+s16+$0x0], $0xffff  }
0x1b8: {  	v18 =	vor.u32 v31, v9;
	v11 =	vld.idx.msk [tilespmem:v63+s16+$0x0], $0xffff;
	[tilespmem:v16+s19+$0x0] =	vst.idx.msk $0xffff, v15;
	v34 =	vor.u32 v59, v7  }
0x1b9: {  	v62 =	vld [tilespmem:$0x1FEE0];
	_ =	sdelay $0x1  }
0x1ba: {  	[tilespmem:v17+s19+$0x0] =	vst.idx.msk $0xffff, v32  }
0x1bb: {  	v33 =	vor.u32 v31, v24;
	[tilespmem:v19+s19+$0x0] =	vst.idx.msk $0xffff, v14  }
0x1bc: {  	v20 =	vor.u32 v31, v8;
	v48 =	vld.idx.msk [tilespmem:v18+s16+$0x0], $0xffff;
	[tilespmem:v34+s19+$0x0] =	vst.idx.msk $0xffff, v11  }
0x1bd: {  	v49 =	vor.u32 v59, v4;
	v47 =	vor.u32 v62, v25;
	v21 =	vld [tilespmem:$0x1FC60];
	_ =	sdelay $0x2  }
0x1be: {  	v13 =	vld.idx.msk [tilespmem:v33+s16+$0x0], $0xffff;
	v50 =	vor.u32 v59, v3  }
0x1bf: {  	v53 =	vor.u32 v59, v0;
	v52 =	vld.idx.msk [tilespmem:v20+s16+$0x0], $0xffff  }
0x1c0: {  	v51 =	vor.u32 v62, v24;
	v11 =	vld.idx.msk [tilespmem:v47+s16+$0x0], $0xffff;
	[tilespmem:v49+s19+$0x0] =	vst.idx.msk $0xffff, v48;
	v54 =	vor.u32 v21, v7  }
0x1c1: {  	v34 =	vld [tilespmem:$0x1FDA0];
	_ =	sdelay $0x1  }
0x1c2: {  	[tilespmem:v50+s19+$0x0] =	vst.idx.msk $0xffff, v13  }
0x1c3: {  	v56 =	vld.idx.msk [tilespmem:v26+s16+$0x0], $0xffff;
	[tilespmem:v53+s19+$0x0] =	vst.idx.msk $0xffff, v52  }
0x1c4: {  	v20 =	vor.u32 v62, v8;
	v14 =	vld.idx.msk [tilespmem:v51+s16+$0x0], $0xffff;
	[tilespmem:v54+s19+$0x0] =	vst.idx.msk $0xffff, v11  }
0x1c5: {  	v57 =	vor.u32 v21, v4;
	v55 =	vor.u32 v34, v25;
	v51 =	vld [tilespmem:$0x1FDB0];
	_ =	sdelay $0x2  }
0x1c6: {  	v58 =	vor.u32 v21, v3  }
0x1c7: {  	v19 =	vld.idx.msk [tilespmem:v20+s16+$0x0], $0xffff;
	v20 =	vor.u32 v21, v0  }
0x1c8: {  	v59 =	vor.u32 v34, v9;
	v10 =	vld.idx.msk [tilespmem:v55+s16+$0x0], $0xffff;
	[tilespmem:v57+s19+$0x0] =	vst.idx.msk $0xffff, v56;
	v33 =	vor.u32 v51, v7  }
0x1c9: {  	v60 =	vld [tilespmem:$0x1FE80];
	_ =	sdelay $0x1  }
0x1ca: {  	[tilespmem:v58+s19+$0x0] =	vst.idx.msk $0xffff, v14  }
0x1cb: {  	v32 =	vor.u32 v34, v24;
	[tilespmem:v20+s19+$0x0] =	vst.idx.msk $0xffff, v19  }
0x1cc: {  	v21 =	vor.u32 v34, v8;
	v13 =	vld.idx.msk [tilespmem:v59+s16+$0x0], $0xffff;
	[tilespmem:v33+s19+$0x0] =	vst.idx.msk $0xffff, v10  }
0x1cd: {  	v47 =	vor.u32 v51, v4;
	v34 =	vor.u32 v60, v25;
	v61 =	vld [tilespmem:$0x1FE90];
	_ =	sdelay $0x2  }
0x1ce: {  	v48 =	vld.idx.msk [tilespmem:v32+s16+$0x0], $0xffff;
	v49 =	vor.u32 v51, v3  }
0x1cf: {  	v19 =	vld.idx.msk [tilespmem:v21+s16+$0x0], $0xffff;
	v20 =	vor.u32 v51, v0  }
0x1d0: {  	v50 =	vor.u32 v60, v9;
	v10 =	vld.idx.msk [tilespmem:v34+s16+$0x0], $0xffff;
	[tilespmem:v47+s19+$0x0] =	vst.idx.msk $0xffff, v13;
	v58 =	vor.u32 v61, v7  }
0x1d1: {  	v55 =	vld [tilespmem:$0x1FD80];
	_ =	sdelay $0x1  }
0x1d2: {  	[tilespmem:v49+s19+$0x0] =	vst.idx.msk $0xffff, v48  }
0x1d3: {  	v57 =	vor.u32 v60, v24;
	[tilespmem:v20+s19+$0x0] =	vst.idx.msk $0xffff, v19  }
0x1d4: {  	v21 =	vor.u32 v60, v8;
	v13 =	vld.idx.msk [tilespmem:v50+s16+$0x0], $0xffff;
	[tilespmem:v58+s19+$0x0] =	vst.idx.msk $0xffff, v10  }
0x1d5: {  	v60 =	vor.u32 v61, v4;
	v59 =	vor.u32 v55, v25;
	v48 =	vor.u32 v55, v24;
	v24 =	vld [tilespmem:$0x1FDC0];
	_ =	sdelay $0x2  }
0x1d6: {  	v15 =	vld.idx.msk [tilespmem:v57+s16+$0x0], $0xffff;
	v63 =	vor.u32 v61, v3  }
0x1d7: {  	v49 =	vld.idx.msk [tilespmem:v21+s16+$0x0], $0xffff;
	v50 =	vor.u32 v61, v0  }
0x1d8: {  	v47 =	vor.u32 v55, v9;
	v10 =	vld.idx.msk [tilespmem:v59+s16+$0x0], $0xffff;
	[tilespmem:v60+s19+$0x0] =	vst.idx.msk $0xffff, v13;
	v52 =	vor.u32 v24, v7  }
0x1d9: {  	v33 =	vld [tilespmem:$0x1FDD0];
	_ =	sdelay $0x1  }
0x1da: {  	[tilespmem:v63+s19+$0x0] =	vst.idx.msk $0xffff, v15  }
0x1db: {  	[tilespmem:v50+s19+$0x0] =	vst.idx.msk $0xffff, v49  }
0x1dc: {  	v51 =	vor.u32 v55, v8;
	v9 =	vld.idx.msk [tilespmem:v47+s16+$0x0], $0xffff;
	[tilespmem:v52+s19+$0x0] =	vst.idx.msk $0xffff, v10  }
0x1dd: {  	v54 =	vor.u32 v24, v4;
	v53 =	vor.u32 v33, v6;
	v30 =	vld [tilespmem:$0x1FDE0];
	_ =	sdelay $0x2  }
0x1de: {  	v55 =	vld.idx.msk [tilespmem:v48+s16+$0x0], $0xffff;
	v60 =	vor.u32 v24, v3  }
0x1df: {  	v8 =	vld.idx.msk [tilespmem:v51+s16+$0x0], $0xffff;
	v34 =	vor.u32 v24, v0;
	v61 =	vor.u32 v33, v5  }
0x1e0: {  	v63 =	vor.u32 v33, v2;
	v10 =	vld.idx.msk [tilespmem:v53+s16+$0x0], $0xffff;
	[tilespmem:v54+s19+$0x0] =	vst.idx.msk $0xffff, v9;
	v48 =	vor.u32 v30, v7  }
0x1e1: {  	v57 =	vld [tilespmem:$0x1FDF0];
	_ =	sdelay $0x1  }
0x1e2: {  	[tilespmem:v60+s19+$0x0] =	vst.idx.msk $0xffff, v55  }
0x1e3: {  	v50 =	vld.idx.msk [tilespmem:v61+s16+$0x0], $0xffff;
	[tilespmem:v34+s19+$0x0] =	vst.idx.msk $0xffff, v8  }
0x1e4: {  	v47 =	vor.u32 v33, v1;
	v14 =	vld.idx.msk [tilespmem:v63+s16+$0x0], $0xffff;
	[tilespmem:v48+s19+$0x0] =	vst.idx.msk $0xffff, v10  }
0x1e5: {  	v51 =	vor.u32 v30, v4;
	v49 =	vor.u32 v57, v6;
	v63 =	vld [tilespmem:$0x1FE00];
	_ =	sdelay $0x2  }
0x1e6: {  	v52 =	vor.u32 v30, v3  }
0x1e7: {  	v55 =	vld.idx.msk [tilespmem:v47+s16+$0x0], $0xffff;
	v56 =	vor.u32 v30, v0  }
0x1e8: {  	v53 =	vor.u32 v57, v5;
	v9 =	vld.idx.msk [tilespmem:v49+s16+$0x0], $0xffff;
	[tilespmem:v51+s19+$0x0] =	vst.idx.msk $0xffff, v50;
	v59 =	vor.u32 v63, v7  }
0x1e9: {  	v48 =	vld [tilespmem:$0x1FE10];
	_ =	sdelay $0x1  }
0x1ea: {  	[tilespmem:v52+s19+$0x0] =	vst.idx.msk $0xffff, v14  }
0x1eb: {  	v54 =	vor.u32 v57, v2;
	[tilespmem:v56+s19+$0x0] =	vst.idx.msk $0xffff, v55  }
0x1ec: {  	v58 =	vor.u32 v57, v1;
	v12 =	vld.idx.msk [tilespmem:v53+s16+$0x0], $0xffff;
	[tilespmem:v59+s19+$0x0] =	vst.idx.msk $0xffff, v9  }
0x1ed: {  	v61 =	vor.u32 v63, v4;
	v60 =	vor.u32 v48, v6;
	v47 =	vld [tilespmem:$0x1FE20];
	_ =	sdelay $0x2  }
0x1ee: {  	v8 =	vld.idx.msk [tilespmem:v54+s16+$0x0], $0xffff;
	v32 =	vor.u32 v63, v3  }
0x1ef: {  	v17 =	vld.idx.msk [tilespmem:v58+s16+$0x0], $0xffff;
	v52 =	vor.u32 v63, v0  }
0x1f0: {  	v33 =	vor.u32 v48, v5;
	v9 =	vld.idx.msk [tilespmem:v60+s16+$0x0], $0xffff;
	[tilespmem:v61+s19+$0x0] =	vst.idx.msk $0xffff, v12;
	v54 =	vor.u32 v47, v7  }
0x1f1: {  	v50 =	vld [tilespmem:$0x1FE30];
	_ =	sdelay $0x1  }
0x1f2: {  	[tilespmem:v32+s19+$0x0] =	vst.idx.msk $0xffff, v8  }
0x1f3: {  	v34 =	vor.u32 v48, v2;
	[tilespmem:v52+s19+$0x0] =	vst.idx.msk $0xffff, v17  }
0x1f4: {  	v53 =	vor.u32 v48, v1;
	v56 =	vld.idx.msk [tilespmem:v33+s16+$0x0], $0xffff;
	[tilespmem:v54+s19+$0x0] =	vst.idx.msk $0xffff, v9  }
0x1f5: {  	v57 =	vor.u32 v47, v4;
	v55 =	vor.u32 v50, v6;
	v52 =	vld [tilespmem:$0x1FE40];
	_ =	sdelay $0x2  }
0x1f6: {  	v58 =	vld.idx.msk [tilespmem:v34+s16+$0x0], $0xffff;
	v59 =	vor.u32 v47, v3  }
0x1f7: {  	v17 =	vld.idx.msk [tilespmem:v53+s16+$0x0], $0xffff;
	v63 =	vor.u32 v47, v0  }
0x1f8: {  	v60 =	vor.u32 v50, v5;
	v9 =	vld.idx.msk [tilespmem:v55+s16+$0x0], $0xffff;
	[tilespmem:v57+s19+$0x0] =	vst.idx.msk $0xffff, v56;
	v33 =	vor.u32 v52, v7  }
0x1f9: {  	v54 =	vld [tilespmem:$0x1FE50];
	_ =	sdelay $0x1  }
0x1fa: {  	[tilespmem:v59+s19+$0x0] =	vst.idx.msk $0xffff, v58  }
0x1fb: {  	v61 =	vor.u32 v50, v2;
	[tilespmem:v63+s19+$0x0] =	vst.idx.msk $0xffff, v17  }
0x1fc: {  	v32 =	vor.u32 v50, v1;
	v47 =	vld.idx.msk [tilespmem:v60+s16+$0x0], $0xffff;
	[tilespmem:v33+s19+$0x0] =	vst.idx.msk $0xffff, v9  }
0x1fd: {  	v48 =	vor.u32 v52, v4;
	v34 =	vor.u32 v54, v6;
	v56 =	vld [tilespmem:$0x1FE60];
	_ =	sdelay $0x2  }
0x1fe: {  	v13 =	vld.idx.msk [tilespmem:v61+s16+$0x0], $0xffff;
	v49 =	vor.u32 v52, v3  }
0x1ff: {  	v17 =	vld.idx.msk [tilespmem:v32+s16+$0x0], $0xffff;
	v53 =	vor.u32 v52, v0  }
0x200: {  	v50 =	vor.u32 v54, v5;
	v8 =	vld.idx.msk [tilespmem:v34+s16+$0x0], $0xffff;
	[tilespmem:v48+s19+$0x0] =	vst.idx.msk $0xffff, v47;
	v61 =	vor.u32 v56, v7  }
0x201: {  	v58 =	vld [tilespmem:$0x1FE70];
	_ =	sdelay $0x1  }
0x202: {  	[tilespmem:v49+s19+$0x0] =	vst.idx.msk $0xffff, v13  }
0x203: {  	v51 =	vor.u32 v54, v2;
	[tilespmem:v53+s19+$0x0] =	vst.idx.msk $0xffff, v17  }
0x204: {  	v60 =	vor.u32 v54, v1;
	v11 =	vld.idx.msk [tilespmem:v50+s16+$0x0], $0xffff;
	[tilespmem:v61+s19+$0x0] =	vst.idx.msk $0xffff, v8  }
0x205: {  	v32 =	vor.u32 v56, v4;
	v63 =	vor.u32 v58, v6;
	v25 =	vld [tilespmem:$0x1FD50];
	_ =	sdelay $0x2  }
0x206: {  	v13 =	vld.idx.msk [tilespmem:v51+s16+$0x0], $0xffff;
	v33 =	vor.u32 v56, v3  }
0x207: {  	v17 =	vld.idx.msk [tilespmem:v60+s16+$0x0], $0xffff;
	v48 =	vor.u32 v56, v0;
	v34 =	vor.u32 v58, v5  }
0x208: {  	v49 =	vor.u32 v58, v1;
	v8 =	vld.idx.msk [tilespmem:v63+s16+$0x0], $0xffff;
	[tilespmem:v32+s19+$0x0] =	vst.idx.msk $0xffff, v11;
	v50 =	vor.u32 v25, v7  }
0x209: {  	v53 =	vld [tilespmem:$0x1FD70];
	_ =	sdelay $0x1  }
0x20a: {  	[tilespmem:v33+s19+$0x0] =	vst.idx.msk $0xffff, v13  }
0x20b: {  	v47 =	vor.u32 v58, v2;
	v11 =	vld.idx.msk [tilespmem:v34+s16+$0x0], $0xffff;
	[tilespmem:v48+s19+$0x0] =	vst.idx.msk $0xffff, v17  }
0x20c: {  	v17 =	vld.idx.msk [tilespmem:v49+s16+$0x0], $0xffff;
	[tilespmem:v50+s19+$0x0] =	vst.idx.msk $0xffff, v8  }
0x20d: {  	v57 =	vor.u32 v25, v4;
	v56 =	vor.u32 v53, v6;
	v49 =	vld [tilespmem:$0x1FD60];
	_ =	sdelay $0x2  }
0x20e: {  	v13 =	vld.idx.msk [tilespmem:v47+s16+$0x0], $0xffff;
	v58 =	vor.u32 v25, v3  }
0x20f: {  	v61 =	vor.u32 v25, v0  }
0x210: {  	v59 =	vor.u32 v53, v5;
	v8 =	vld.idx.msk [tilespmem:v56+s16+$0x0], $0xffff;
	[tilespmem:v57+s19+$0x0] =	vst.idx.msk $0xffff, v11;
	v47 =	vor.u32 v49, v7  }
0x211: {  	v32 =	vld [tilespmem:$0x1FD40]  }
0x212: {  	v60 =	vor.u32 v53, v2  }
0x213: {  	v63 =	vor.u32 v53, v1;
	[tilespmem:v58+s19+$0x0] =	vst.idx.msk $0xffff, v13  }
0x214: {  	[tilespmem:v61+s19+$0x0] =	vst.idx.msk $0xffff, v17  }
0x215: {  	v50 =	vld.idx.msk [tilespmem:v59+s16+$0x0], $0xffff;
	[tilespmem:v47+s19+$0x0] =	vst.idx.msk $0xffff, v8  }
0x216: {  	v51 =	vor.u32 v49, v4;
	v48 =	vor.u32 v32, v6;
	v8 =	vld [tilespmem:$0x1FD30]  }
0x217: {  	v52 =	vld.idx.msk [tilespmem:v60+s16+$0x0], $0xffff;
	v53 =	vor.u32 v49, v3;
	v54 =	vor.u32 v32, v5  }
0x218: {  	v56 =	vld.idx.msk [tilespmem:v63+s16+$0x0], $0xffff;
	v57 =	vor.u32 v49, v0;
	v55 =	vor.u32 v32, v2  }
0x219: {  	v58 =	vor.u32 v32, v1;
	_ =	sdelay $0x1  }
0x21a: {  	v6 =	vld.idx.msk [tilespmem:v48+s16+$0x0], $0xffff;
	[tilespmem:v51+s19+$0x0] =	vst.idx.msk $0xffff, v50;
	v59 =	vor.u32 v8, v7  }
0x21b: {  	[tilespmem:v53+s19+$0x0] =	vst.idx.msk $0xffff, v52;
	v5 =	vld.idx.msk [tilespmem:v54+s16+$0x0], $0xffff;
	v60 =	vor.u32 v8, v4  }
0x21c: {  	[tilespmem:v57+s19+$0x0] =	vst.idx.msk $0xffff, v56;
	v2 =	vld.idx.msk [tilespmem:v55+s16+$0x0], $0xffff;
	v61 =	vor.u32 v8, v3  }
0x21d: {  	v1 =	vld.idx.msk [tilespmem:v58+s16+$0x0], $0xffff;
	v63 =	vor.u32 v8, v0;
	_ =	sdelay $0x1  }
0x21e: {  	[tilespmem:v59+s19+$0x0] =	vst.idx.msk $0xffff, v6  }
0x21f: {  	[tilespmem:v60+s19+$0x0] =	vst.idx.msk $0xffff, v5  }
0x220: {  	[tilespmem:v61+s19+$0x0] =	vst.idx.msk $0xffff, v2  }
0x221: {  	[tilespmem:v63+s19+$0x0] =	vst.idx.msk $0xffff, v1  }
0x222: {  	v21 =	vld [tilespmem:$0x1FEA0]  }
0x223: {  	v22 =	vld [tilespmem:$0x1FF70]  }
0x224: {  	v33 =	vld [tilespmem:$0x1FF80]  }
0x225: {  	v34 =	vld [tilespmem:$0x1FF10]  }
0x226: {  	v47 =	vld [tilespmem:$0x1FF90]  }
0x227: {  	v48 =	vld [tilespmem:$0x1FF20]  }
0x228: {  	v49 =	vld [tilespmem:$0x1FFA0]  }
0x229: {  	v23 =	vld [tilespmem:$0x1FFB0]  }
0x22a: {  	v28 =	vld [tilespmem:$0x1FFC0]  }
0x22b: {  	v27 =	vld [tilespmem:$0x1FF30]  }
0x22c: {  	v50 =	vld [tilespmem:$0x1FFD0]  }
0x22d: {  	v52 =	vld [tilespmem:$0x1FF40]  }
0x22e: {  	v53 =	vld [tilespmem:$0x1FFE0]  }
0x22f: {  	v54 =	vld [tilespmem:$0x1FF50]  }
0x230: {  	s26 =	sadd.s32 s4, s25;
	v55 =	vld [tilespmem:$0x1FFF0]  }
0x231: {  	s26 =	sshll.u32 s26, $0x10;
	v57 =	vld [tilespmem:$0x1FF60]  }
0x232: {  	s26 =	sor.u32 s10, s26;
	v60 =	vld [tilespmem:$0x1FEB0]  }
0x233: {  	s26 =	sshrl.u32 s26, $0x3;
	v56 =	vld [tilespmem:$0x1FF00]  }
0x234: {  	s26 =	sadd.s32 s0, s26;
	v61 =	vld [tilespmem:$0x1FEC0]  }
0x235: {  	v63 =	vmov v62;
	[hbm4b:s26+s14] =	stream.strided.scatter [tilespmem:s19], [sflag:$0x2], $0x2000, s20, s14, $0x38;
	v58 =	vld [tilespmem:$0x1FEF0]  }
.LBB2_6:
0x236: {  	s26 =	sadd.s32 $0x2, s25  }
0x237: {  	p2 =	sge.u32 s26, s6  }
0x238: {  	s28 =	sadd.s32 @!p2 s4, s26  }
0x239: {  	s26 =	sshllo.u32 s24, $0x1;
	s28 =	sshll.u32 @!p2 s28, $0x7  }
0x23a: {  	s29 =	simm.s32 @!p2 $0x80;
	s30 =	simm.s32 @!p2 $0x3B40;
	s28 =	sand.u32 @!p2 $0x3FFFFF80, s28  }
0x23b: {  	[tilespmem:s30], [sflag:$0x1] =	stream.indirect.gather @!p2 [spmem:s2], $0x80, s28, s29, $0xb8;
	[tilespmem:$0xFB40] =	vst v63  }
0x23c: {  	p2 =	sge.u32 s26, s6  }
.Ltmp6:
0x23d: {  	_ = 	snop;
	(pc) =	sbr.rel @p2 .LBB2_10-.Ltmp6, $1  }
0x23e: {  	_ =	sdelay $0x3  }
0x23f: {  	s28 =	simm.s32 $0x1  }
0x240: {  	v6 =	vadd.s32 s28, v45  }
0x241: {  	_ =	swait.ge [sflag:s18], $0x4000;
	v25 =	vand.u32 $0xF, v6  }
0x242: {  	[sflag:s18] =	ssyncset.done $0x0;
	v0 =	vor.u32 v35, v25  }
0x243: {  	s29 =	simm.s32 @p1 $0x2;
	[sflag:s18] =	ssyncadd.s32 $0xFFFFC000  }
0x244: {  	_ =	swait.ge @p1 [sflag:s29], $0x2000  }
0x245: {  	[sflag:s29] =	ssyncset.done @p1 $0x0  }
0x246: {  	s1 =	simm.s32 $0x2;
	v7 =	vshll.u32 v25, $0x7;
	[sflag:s29] =	ssyncadd.s32 @p1 $0xFFFFE000  }
0x247: {  	s30 =	simm.s32 $0x3;
	v1 =	vadd.s32 s1, v45;
	v13 =	vor.u32 v45, v7;
	v12 =	vld.idx.msk [tilespmem:v0+s17+$0x0], $0xffff  }
0x248: {  	s31 =	simm.s32 $0x0;
	v5 =	vadd.s32 s30, v45;
	v8 =	vand.u32 $0xF, v1  }
0x249: {  	v2 =	vadd.s32 s31, v45;
	v9 =	vand.u32 $0xF, v5;
	v3 =	vor.u32 v35, v8  }
0x24a: {  	v24 =	vand.u32 $0xF, v2;
	v10 =	vor.u32 v35, v9  }
0x24b: {  	v11 =	vor.u32 v35, v24  }
0x24c: {  	v14 =	vor.u32 v21, v25;
	[tilespmem:v13+s21+$0x0] =	vst.idx.msk $0xffff, v12  }
0x24d: {  	v0 =	vshll.u32 v8, $0x7;
	v31 =	vld [tilespmem:$0x1FC10]  }
0x24e: {  	v4 =	vshll.u32 v9, $0x7;
	v15 =	vld.idx.msk [tilespmem:v3+s17+$0x0], $0xffff;
	v16 =	vor.u32 v45, v0  }
0x24f: {  	v17 =	vor.u32 v21, v8;
	v18 =	vor.u32 v45, v4;
	v3 =	vshll.u32 v24, $0x7;
	v10 =	vld.idx.msk [tilespmem:v10+s17+$0x0], $0xffff  }
0x250: {  	v20 =	vor.u32 v21, v9;
	v11 =	vld.idx.msk [tilespmem:v11+s17+$0x0], $0xffff;
	v19 =	vor.u32 v45, v3  }
0x251: {  	v12 =	vor.u32 v21, v24;
	v13 =	vld.idx.msk [tilespmem:v14+s17+$0x0], $0xffff;
	v14 =	vor.u32 v22, v7  }
0x252: {  	v21 =	vor.u32 v31, v25  }
0x253: {  	[tilespmem:v16+s21+$0x0] =	vst.idx.msk $0xffff, v15  }
0x254: {  	v16 =	vor.u32 v22, v0;
	[tilespmem:v18+s21+$0x0] =	vst.idx.msk $0xffff, v10;
	v15 =	vld.idx.msk [tilespmem:v17+s17+$0x0], $0xffff  }
0x255: {  	[tilespmem:v19+s21+$0x0] =	vst.idx.msk $0xffff, v11;
	v11 =	vld.idx.msk [tilespmem:v20+s17+$0x0], $0xffff;
	v17 =	vor.u32 v22, v4;
	v10 =	vor.u32 v31, v8  }
0x256: {  	v59 =	vor.u32 v22, v3;
	v12 =	vld.idx.msk [tilespmem:v12+s17+$0x0], $0xffff;
	v62 =	vor.u32 v31, v9;
	[tilespmem:v14+s21+$0x0] =	vst.idx.msk $0xffff, v13  }
0x257: {  	v20 =	vor.u32 v33, v7;
	v13 =	vor.u32 v31, v24;
	v14 =	vld.idx.msk [tilespmem:v21+s17+$0x0], $0xffff  }
0x258: {  	v21 =	vor.u32 v34, v25  }
0x259: {  	[tilespmem:v16+s21+$0x0] =	vst.idx.msk $0xffff, v15  }
0x25a: {  	v15 =	vor.u32 v33, v0;
	[tilespmem:v17+s21+$0x0] =	vst.idx.msk $0xffff, v11;
	v10 =	vld.idx.msk [tilespmem:v10+s17+$0x0], $0xffff  }
0x25b: {  	v16 =	vor.u32 v33, v4;
	[tilespmem:v59+s21+$0x0] =	vst.idx.msk $0xffff, v12;
	v12 =	vor.u32 v34, v8;
	v11 =	vld.idx.msk [tilespmem:v62+s17+$0x0], $0xffff  }
0x25c: {  	v32 =	vor.u32 v34, v9;
	v17 =	vor.u32 v33, v3;
	v13 =	vld.idx.msk [tilespmem:v13+s17+$0x0], $0xffff;
	[tilespmem:v20+s21+$0x0] =	vst.idx.msk $0xffff, v14  }
0x25d: {  	v14 =	vor.u32 v34, v24;
	v20 =	vor.u32 v43, v7;
	v33 =	vld.idx.msk [tilespmem:v21+s17+$0x0], $0xffff  }
0x25e: {  	v21 =	vor.u32 v44, v25  }
0x25f: {  	[tilespmem:v15+s21+$0x0] =	vst.idx.msk $0xffff, v10  }
0x260: {  	[tilespmem:v16+s21+$0x0] =	vst.idx.msk $0xffff, v11;
	v11 =	vor.u32 v43, v0;
	v10 =	vld.idx.msk [tilespmem:v12+s17+$0x0], $0xffff  }
0x261: {  	[tilespmem:v17+s21+$0x0] =	vst.idx.msk $0xffff, v13;
	v13 =	vor.u32 v44, v8;
	v15 =	vor.u32 v43, v4;
	v12 =	vld.idx.msk [tilespmem:v32+s17+$0x0], $0xffff  }
0x262: {  	v16 =	vor.u32 v43, v3;
	v17 =	vor.u32 v44, v9;
	v14 =	vld.idx.msk [tilespmem:v14+s17+$0x0], $0xffff;
	[tilespmem:v20+s21+$0x0] =	vst.idx.msk $0xffff, v33  }
0x263: {  	v34 =	vor.u32 v44, v24;
	v20 =	vor.u32 v46, v7;
	v19 =	vld.idx.msk [tilespmem:v21+s17+$0x0], $0xffff  }
0x264: {  	v21 =	vor.u32 v47, v25  }
0x265: {  	[tilespmem:v11+s21+$0x0] =	vst.idx.msk $0xffff, v10  }
0x266: {  	[tilespmem:v15+s21+$0x0] =	vst.idx.msk $0xffff, v12;
	v11 =	vor.u32 v46, v0;
	v10 =	vld.idx.msk [tilespmem:v13+s17+$0x0], $0xffff  }
0x267: {  	v12 =	vld.idx.msk [tilespmem:v17+s17+$0x0], $0xffff;
	v13 =	vor.u32 v47, v8;
	[tilespmem:v16+s21+$0x0] =	vst.idx.msk $0xffff, v14;
	v14 =	vor.u32 v46, v4  }
0x268: {  	v17 =	vor.u32 v47, v9;
	v16 =	vor.u32 v46, v3;
	v15 =	vld.idx.msk [tilespmem:v34+s17+$0x0], $0xffff;
	[tilespmem:v20+s21+$0x0] =	vst.idx.msk $0xffff, v19  }
0x269: {  	v43 =	vor.u32 v47, v24;
	v20 =	vor.u32 v42, v7;
	v19 =	vld.idx.msk [tilespmem:v21+s17+$0x0], $0xffff  }
0x26a: {  	v21 =	vor.u32 v48, v25  }
0x26b: {  	[tilespmem:v11+s21+$0x0] =	vst.idx.msk $0xffff, v10  }
0x26c: {  	v10 =	vld.idx.msk [tilespmem:v13+s17+$0x0], $0xffff;
	[tilespmem:v14+s21+$0x0] =	vst.idx.msk $0xffff, v12  }
0x26d: {  	v11 =	vor.u32 v42, v0;
	[tilespmem:v16+s21+$0x0] =	vst.idx.msk $0xffff, v15;
	v12 =	vld.idx.msk [tilespmem:v17+s17+$0x0], $0xffff  }
0x26e: {  	v14 =	vor.u32 v42, v4;
	v15 =	vld.idx.msk [tilespmem:v43+s17+$0x0], $0xffff;
	[tilespmem:v20+s21+$0x0] =	vst.idx.msk $0xffff, v19  }
0x26f: {  	v16 =	vor.u32 v42, v3;
	v19 =	vld.idx.msk [tilespmem:v21+s17+$0x0], $0xffff  }
0x270: {  	v20 =	vor.u32 v49, v7;
	v26 =	vld [tilespmem:$0x1FC20];
	_ =	sdelay $0x1  }
0x271: {  	v13 =	vor.u32 v48, v8;
	[tilespmem:v11+s21+$0x0] =	vst.idx.msk $0xffff, v10  }
0x272: {  	v17 =	vor.u32 v48, v9;
	[tilespmem:v14+s21+$0x0] =	vst.idx.msk $0xffff, v12  }
0x273: {  	v44 =	vor.u32 v48, v24;
	[tilespmem:v16+s21+$0x0] =	vst.idx.msk $0xffff, v15  }
0x274: {  	v21 =	vor.u32 v26, v25;
	[tilespmem:v20+s21+$0x0] =	vst.idx.msk $0xffff, v19  }
0x275: {  	v29 =	vld [tilespmem:$0x1FC30]  }
0x276: {  	v11 =	vor.u32 v49, v0;
	v10 =	vld.idx.msk [tilespmem:v13+s17+$0x0], $0xffff  }
0x277: {  	v14 =	vor.u32 v49, v4;
	v12 =	vld.idx.msk [tilespmem:v17+s17+$0x0], $0xffff;
	v13 =	vor.u32 v26, v8  }
0x278: {  	v16 =	vor.u32 v49, v3;
	v15 =	vld.idx.msk [tilespmem:v44+s17+$0x0], $0xffff;
	v17 =	vor.u32 v26, v9  }
0x279: {  	v46 =	vor.u32 v26, v24;
	v20 =	vor.u32 v23, v7;
	v19 =	vld.idx.msk [tilespmem:v21+s17+$0x0], $0xffff  }
0x27a: {  	v21 =	vor.u32 v29, v6  }
0x27b: {  	[tilespmem:v11+s21+$0x0] =	vst.idx.msk $0xffff, v10  }
0x27c: {  	v11 =	vor.u32 v23, v0;
	[tilespmem:v14+s21+$0x0] =	vst.idx.msk $0xffff, v12;
	v10 =	vld.idx.msk [tilespmem:v13+s17+$0x0], $0xffff  }
0x27d: {  	v14 =	vor.u32 v23, v4;
	[tilespmem:v16+s21+$0x0] =	vst.idx.msk $0xffff, v15;
	v12 =	vld.idx.msk [tilespmem:v17+s17+$0x0], $0xffff;
	v13 =	vor.u32 v29, v1  }
0x27e: {  	v16 =	vor.u32 v23, v3;
	v15 =	vld.idx.msk [tilespmem:v46+s17+$0x0], $0xffff;
	v17 =	vor.u32 v29, v5;
	[tilespmem:v20+s21+$0x0] =	vst.idx.msk $0xffff, v19  }
0x27f: {  	v48 =	vor.u32 v29, v2;
	v20 =	vor.u32 v41, v7;
	v47 =	vld.idx.msk [tilespmem:v21+s17+$0x0], $0xffff  }
0x280: {  	v21 =	vor.u32 v28, v6  }
0x281: {  	[tilespmem:v11+s21+$0x0] =	vst.idx.msk $0xffff, v10  }
0x282: {  	[tilespmem:v14+s21+$0x0] =	vst.idx.msk $0xffff, v12;
	v11 =	vor.u32 v41, v0;
	v10 =	vld.idx.msk [tilespmem:v13+s17+$0x0], $0xffff  }
0x283: {  	[tilespmem:v16+s21+$0x0] =	vst.idx.msk $0xffff, v15;
	v14 =	vor.u32 v41, v4;
	v12 =	vld.idx.msk [tilespmem:v17+s17+$0x0], $0xffff;
	v13 =	vor.u32 v28, v1  }
0x284: {  	v15 =	vor.u32 v28, v5;
	v16 =	vld.idx.msk [tilespmem:v48+s17+$0x0], $0xffff;
	v17 =	vor.u32 v41, v3;
	[tilespmem:v20+s21+$0x0] =	vst.idx.msk $0xffff, v47  }
0x285: {  	v49 =	vor.u32 v28, v2;
	v20 =	vor.u32 v40, v7;
	v18 =	vld.idx.msk [tilespmem:v21+s17+$0x0], $0xffff  }
0x286: {  	v21 =	vor.u32 v27, v6  }
0x287: {  	[tilespmem:v11+s21+$0x0] =	vst.idx.msk $0xffff, v10  }
0x288: {  	[tilespmem:v14+s21+$0x0] =	vst.idx.msk $0xffff, v12;
	v11 =	vor.u32 v40, v0;
	v10 =	vld.idx.msk [tilespmem:v13+s17+$0x0], $0xffff  }
0x289: {  	v14 =	vor.u32 v40, v4;
	[tilespmem:v17+s21+$0x0] =	vst.idx.msk $0xffff, v16;
	v12 =	vld.idx.msk [tilespmem:v15+s17+$0x0], $0xffff;
	v13 =	vor.u32 v27, v1  }
0x28a: {  	v17 =	vor.u32 v40, v3;
	v15 =	vor.u32 v27, v5;
	v16 =	vld.idx.msk [tilespmem:v49+s17+$0x0], $0xffff;
	[tilespmem:v20+s21+$0x0] =	vst.idx.msk $0xffff, v18  }
0x28b: {  	v51 =	vor.u32 v27, v2;
	v20 =	vor.u32 v50, v7;
	v18 =	vld.idx.msk [tilespmem:v21+s17+$0x0], $0xffff  }
0x28c: {  	v21 =	vor.u32 v52, v6  }
0x28d: {  	[tilespmem:v11+s21+$0x0] =	vst.idx.msk $0xffff, v10  }
0x28e: {  	[tilespmem:v14+s21+$0x0] =	vst.idx.msk $0xffff, v12;
	v11 =	vor.u32 v50, v0;
	v10 =	vld.idx.msk [tilespmem:v13+s17+$0x0], $0xffff  }
0x28f: {  	v14 =	vor.u32 v50, v4;
	[tilespmem:v17+s21+$0x0] =	vst.idx.msk $0xffff, v16;
	v12 =	vld.idx.msk [tilespmem:v15+s17+$0x0], $0xffff;
	v13 =	vor.u32 v52, v1  }
0x290: {  	v17 =	vor.u32 v50, v3;
	v15 =	vor.u32 v52, v5;
	v16 =	vld.idx.msk [tilespmem:v51+s17+$0x0], $0xffff;
	[tilespmem:v20+s21+$0x0] =	vst.idx.msk $0xffff, v18  }
0x291: {  	v52 =	vor.u32 v52, v2;
	v20 =	vor.u32 v53, v7;
	v18 =	vld.idx.msk [tilespmem:v21+s17+$0x0], $0xffff  }
0x292: {  	v21 =	vor.u32 v39, v6  }
0x293: {  	[tilespmem:v11+s21+$0x0] =	vst.idx.msk $0xffff, v10  }
0x294: {  	[tilespmem:v14+s21+$0x0] =	vst.idx.msk $0xffff, v12;
	v11 =	vor.u32 v53, v0;
	v10 =	vld.idx.msk [tilespmem:v13+s17+$0x0], $0xffff  }
0x295: {  	v14 =	vor.u32 v53, v4;
	[tilespmem:v17+s21+$0x0] =	vst.idx.msk $0xffff, v16;
	v12 =	vld.idx.msk [tilespmem:v15+s17+$0x0], $0xffff;
	v13 =	vor.u32 v39, v1  }
0x296: {  	v17 =	vor.u32 v53, v3;
	v15 =	vor.u32 v39, v5;
	v16 =	vld.idx.msk [tilespmem:v52+s17+$0x0], $0xffff;
	[tilespmem:v20+s21+$0x0] =	vst.idx.msk $0xffff, v18  }
0x297: {  	v53 =	vor.u32 v39, v2;
	v20 =	vor.u32 v54, v7;
	v18 =	vld.idx.msk [tilespmem:v21+s17+$0x0], $0xffff  }
0x298: {  	v21 =	vor.u32 v38, v6  }
0x299: {  	[tilespmem:v11+s21+$0x0] =	vst.idx.msk $0xffff, v10  }
0x29a: {  	[tilespmem:v14+s21+$0x0] =	vst.idx.msk $0xffff, v12;
	v11 =	vor.u32 v54, v0;
	v10 =	vld.idx.msk [tilespmem:v13+s17+$0x0], $0xffff  }
0x29b: {  	v14 =	vor.u32 v54, v4;
	[tilespmem:v17+s21+$0x0] =	vst.idx.msk $0xffff, v16;
	v12 =	vld.idx.msk [tilespmem:v15+s17+$0x0], $0xffff;
	v13 =	vor.u32 v38, v1  }
0x29c: {  	v17 =	vor.u32 v54, v3;
	v15 =	vor.u32 v38, v5;
	v16 =	vld.idx.msk [tilespmem:v53+s17+$0x0], $0xffff;
	[tilespmem:v20+s21+$0x0] =	vst.idx.msk $0xffff, v18  }
0x29d: {  	v54 =	vor.u32 v38, v2;
	v20 =	vor.u32 v55, v7;
	v18 =	vld.idx.msk [tilespmem:v21+s17+$0x0], $0xffff  }
0x29e: {  	v21 =	vor.u32 v57, v6  }
0x29f: {  	[tilespmem:v11+s21+$0x0] =	vst.idx.msk $0xffff, v10  }
0x2a0: {  	[tilespmem:v14+s21+$0x0] =	vst.idx.msk $0xffff, v12;
	v11 =	vor.u32 v55, v0;
	v10 =	vld.idx.msk [tilespmem:v13+s17+$0x0], $0xffff  }
0x2a1: {  	v14 =	vor.u32 v55, v4;
	[tilespmem:v17+s21+$0x0] =	vst.idx.msk $0xffff, v16;
	v12 =	vld.idx.msk [tilespmem:v15+s17+$0x0], $0xffff  }
0x2a2: {  	v17 =	vor.u32 v55, v3;
	v13 =	vor.u32 v57, v1;
	v16 =	vld.idx.msk [tilespmem:v54+s17+$0x0], $0xffff;
	[tilespmem:v20+s21+$0x0] =	vst.idx.msk $0xffff, v18  }
0x2a3: {  	v15 =	vor.u32 v57, v5;
	v20 =	vor.u32 v60, v7;
	v18 =	vld.idx.msk [tilespmem:v21+s17+$0x0], $0xffff;
	_ =	sdelay $0x1  }
0x2a4: {  	[tilespmem:v11+s21+$0x0] =	vst.idx.msk $0xffff, v10  }
0x2a5: {  	v55 =	vor.u32 v57, v2;
	[tilespmem:v14+s21+$0x0] =	vst.idx.msk $0xffff, v12  }
0x2a6: {  	[tilespmem:v17+s21+$0x0] =	vst.idx.msk $0xffff, v16;
	v10 =	vld.idx.msk [tilespmem:v13+s17+$0x0], $0xffff  }
0x2a7: {  	v12 =	vld.idx.msk [tilespmem:v15+s17+$0x0], $0xffff;
	[tilespmem:v20+s21+$0x0] =	vst.idx.msk $0xffff, v18  }
0x2a8: {  	v11 =	vor.u32 v60, v0;
	v21 =	vor.u32 v56, v6;
	v32 =	vld [tilespmem:$0x1FC40]  }
0x2a9: {  	v14 =	vor.u32 v60, v4;
	v13 =	vor.u32 v56, v1;
	v30 =	vld [tilespmem:$0x1FC50]  }
0x2aa: {  	v17 =	vor.u32 v60, v3;
	v15 =	vor.u32 v56, v5;
	v16 =	vld.idx.msk [tilespmem:v55+s17+$0x0], $0xffff  }
0x2ab: {  	v56 =	vor.u32 v56, v2;
	_ =	sdelay $0x1  }
0x2ac: {  	v18 =	vld.idx.msk [tilespmem:v21+s17+$0x0], $0xffff;
	[tilespmem:v11+s21+$0x0] =	vst.idx.msk $0xffff, v10;
	v20 =	vor.u32 v32, v7  }
0x2ad: {  	[tilespmem:v14+s21+$0x0] =	vst.idx.msk $0xffff, v12;
	v10 =	vld.idx.msk [tilespmem:v13+s17+$0x0], $0xffff;
	v21 =	vor.u32 v30, v25;
	v11 =	vor.u32 v32, v0  }
0x2ae: {  	[tilespmem:v17+s21+$0x0] =	vst.idx.msk $0xffff, v16;
	v12 =	vld.idx.msk [tilespmem:v15+s17+$0x0], $0xffff;
	v13 =	vor.u32 v30, v8;
	v14 =	vor.u32 v32, v4  }
0x2af: {  	v16 =	vld.idx.msk [tilespmem:v56+s17+$0x0], $0xffff;
	v15 =	vor.u32 v30, v9;
	v17 =	vor.u32 v32, v3  }
0x2b0: {  	v57 =	vor.u32 v30, v24  }
0x2b1: {  	[tilespmem:v20+s21+$0x0] =	vst.idx.msk $0xffff, v18  }
0x2b2: {  	v20 =	vor.u32 v61, v7;
	[tilespmem:v11+s21+$0x0] =	vst.idx.msk $0xffff, v10;
	v18 =	vld.idx.msk [tilespmem:v21+s17+$0x0], $0xffff  }
0x2b3: {  	[tilespmem:v14+s21+$0x0] =	vst.idx.msk $0xffff, v12;
	v11 =	vor.u32 v61, v0;
	v10 =	vld.idx.msk [tilespmem:v13+s17+$0x0], $0xffff  }
0x2b4: {  	v14 =	vor.u32 v61, v4;
	[tilespmem:v17+s21+$0x0] =	vst.idx.msk $0xffff, v16;
	v12 =	vld.idx.msk [tilespmem:v15+s17+$0x0], $0xffff  }
0x2b5: {  	v17 =	vor.u32 v61, v3;
	v21 =	vor.u32 v37, v25;
	v16 =	vld.idx.msk [tilespmem:v57+s17+$0x0], $0xffff;
	_ =	sdelay $0x1  }
0x2b6: {  	[tilespmem:v20+s21+$0x0] =	vst.idx.msk $0xffff, v18  }
0x2b7: {  	v13 =	vor.u32 v37, v8;
	[tilespmem:v11+s21+$0x0] =	vst.idx.msk $0xffff, v10  }
0x2b8: {  	v15 =	vor.u32 v37, v9;
	[tilespmem:v14+s21+$0x0] =	vst.idx.msk $0xffff, v12  }
0x2b9: {  	v59 =	vor.u32 v37, v24;
	v20 =	vor.u32 v58, v7;
	[tilespmem:v17+s21+$0x0] =	vst.idx.msk $0xffff, v16;
	v18 =	vld.idx.msk [tilespmem:v21+s17+$0x0], $0xffff  }
0x2ba: {  	v21 =	vor.u32 v36, v25;
	v10 =	vld [tilespmem:$0x1FD20];
	_ =	sdelay $0x1  }
0x2bb: {  	v27 =	vld.idx.msk [tilespmem:v13+s17+$0x0], $0xffff  }
0x2bc: {  	v62 =	vor.u32 v36, v24;
	v28 =	vld.idx.msk [tilespmem:v15+s17+$0x0], $0xffff  }
0x2bd: {  	v26 =	vor.u32 v63, v9;
	v29 =	vor.u32 v58, v3;
	v23 =	vld.idx.msk [tilespmem:v59+s17+$0x0], $0xffff;
	[tilespmem:v20+s21+$0x0] =	vst.idx.msk $0xffff, v18  }
0x2be: {  	s29 =	simm.s32 $0x4;
	v12 =	vor.u32 v58, v4;
	v15 =	vor.u32 v36, v9;
	v11 =	vor.u32 v10, v7;
	v22 =	vld.idx.msk [tilespmem:v21+s17+$0x0], $0xffff  }
.LBB2_8:
0x2bf: {  	v51 =	vld [tilespmem:$0x1FD90]  }
0x2c0: {  	v48 =	vld [tilespmem:$0x1FEE0]  }
0x2c1: {  	v50 =	vld [tilespmem:$0x1FED0]  }
0x2c2: {  	s1 =	smov.u32 s29;
	v49 =	vld [tilespmem:$0x1FEF0]  }
0x2c3: {  	v47 =	vld [tilespmem:$0x1FEA0];
	s1 =	sadd.s32 $0x2, s1  }
0x2c4: {  	v44 =	vld [tilespmem:$0x1FD10];
	v13 =	vadd.s32 s1, v45  }
0x2c5: {  	s30 =	sadd.s32 $0x1, s29;
	v55 =	vld [tilespmem:$0x1FDA0];
	v16 =	vand.u32 $0xF, v13  }
0x2c6: {  	v52 =	vld [tilespmem:$0x1FC60];
	v19 =	vadd.s32 s30, v45;
	v34 =	vor.u32 v35, v16  }
0x2c7: {  	v18 =	vadd.s32 s29, v45;
	v53 =	vld [tilespmem:$0x1FF70];
	[tilespmem:v12+s21+$0x0] =	vst.idx.msk $0xffff, v28;
	v12 =	vand.u32 $0xF, v19;
	v30 =	vor.u32 v51, v25  }
0x2c8: {  	s31 =	sadd.s32 $0x3, s29;
	v31 =	vor.u32 v10, v4;
	v56 =	vld [tilespmem:$0x1FE80];
	v21 =	vand.u32 $0xF, v18;
	v32 =	vor.u32 v35, v12  }
0x2c9: {  	v20 =	vadd.s32 s31, v45;
	v33 =	vor.u32 v35, v21;
	[tilespmem:v29+s21+$0x0] =	vst.idx.msk $0xffff, v23;
	v28 =	vld.idx.msk [tilespmem:v15+s17+$0x0], $0xffff  }
0x2ca: {  	v14 =	vand.u32 $0xF, v20;
	v61 =	vld.idx.msk [tilespmem:v62+s17+$0x0], $0xffff;
	v62 =	vor.u32 v10, v3  }
0x2cb: {  	v29 =	vor.u32 v35, v14;
	[tilespmem:v11+s21+$0x0] =	vst.idx.msk $0xffff, v22;
	v34 =	vld.idx.msk [tilespmem:v34+s17+$0x0], $0xffff  }
0x2cc: {  	v17 =	vshll.u32 v16, $0x7;
	v37 =	vor.u32 v51, v24;
	v40 =	vor.u32 v49, v0;
	v30 =	vld.idx.msk [tilespmem:v30+s17+$0x0], $0xffff  }
0x2cd: {  	v43 =	vor.u32 v45, v17;
	v32 =	vld.idx.msk [tilespmem:v32+s17+$0x0], $0xffff  }
0x2ce: {  	v44 =	vor.u32 v44, v8;
	[tilespmem:v31+s21+$0x0] =	vst.idx.msk $0xffff, v28;
	v28 =	vld.idx.msk [tilespmem:v33+s17+$0x0], $0xffff  }
0x2cf: {  	v23 =	vor.u32 v36, v21;
	v57 =	vor.u32 v47, v16;
	[tilespmem:v62+s21+$0x0] =	vst.idx.msk $0xffff, v61;
	v61 =	vld [tilespmem:$0x1FC10]  }
0x2d0: {  	v22 =	vshll.u32 v21, $0x7;
	[tilespmem:$0x1FBF0] =	vst v23;
	v39 =	vor.u32 v50, v7;
	v23 =	vshll.u32 v12, $0x7;
	v29 =	vld.idx.msk [tilespmem:v29+s17+$0x0], $0xffff  }
0x2d1: {  	v46 =	vlaneseq.u32;
	v38 =	vor.u32 v48, v25;
	v31 =	vor.u32 v45, v23;
	[tilespmem:v40+s21+$0x0] =	vst.idx.msk $0xffff, v27;
	v36 =	vld.idx.msk [tilespmem:v37+s17+$0x0], $0xffff  }
0x2d2: {  	v15 =	vshll.u32 v14, $0x7;
	v41 =	vor.u32 v45, v22;
	v63 =	vor.u32 v51, v9;
	[tilespmem:v43+s21+$0x0] =	vst.idx.msk $0xffff, v34;
	v43 =	vld [tilespmem:$0x1FC80]  }
0x2d3: {  	v46 =	vor.u32 v46, v15;
	v34 =	vld.idx.msk [tilespmem:v44+s17+$0x0], $0xffff  }
0x2d4: {  	v42 =	vor.u32 v47, v12;
	v58 =	vor.u32 v47, v14;
	v59 =	vor.u32 v55, v25;
	v44 =	vld.idx.msk [tilespmem:v57+s17+$0x0], $0xffff  }
0x2d5: {  	v60 =	vor.u32 v53, v23;
	[tilespmem:v39+s21+$0x0] =	vst.idx.msk $0xffff, v30;
	v30 =	vor.u32 v50, v3;
	v57 =	vld [tilespmem:$0x1FDB0]  }
0x2d6: {  	v27 =	vor.u32 v47, v21;
	v38 =	vld.idx.msk [tilespmem:v38+s17+$0x0], $0xffff;
	[tilespmem:v31+s21+$0x0] =	vst.idx.msk $0xffff, v32;
	v31 =	vor.u32 v52, v7  }
0x2d7: {  	v40 =	vor.u32 v50, v4;
	[tilespmem:v41+s21+$0x0] =	vst.idx.msk $0xffff, v28;
	v28 =	vor.u32 v53, v22;
	v32 =	vld.idx.msk [tilespmem:v63+s17+$0x0], $0xffff  }
0x2d8: {  	v63 =	vor.u32 v53, v17;
	[tilespmem:v46+s21+$0x0] =	vst.idx.msk $0xffff, v29;
	v46 =	vor.u32 v53, v15;
	v53 =	vld [tilespmem:$0x1FD80]  }
0x2d9: {  	v37 =	vor.u32 v48, v24;
	v33 =	vld.idx.msk [tilespmem:v42+s17+$0x0], $0xffff  }
0x2da: {  	v42 =	vor.u32 v10, v0;
	v35 =	vld.idx.msk [tilespmem:v58+s17+$0x0], $0xffff;
	[tilespmem:v30+s21+$0x0] =	vst.idx.msk $0xffff, v36  }
0x2db: {  	v27 =	vld.idx.msk [tilespmem:v27+s17+$0x0], $0xffff;
	[tilespmem:v31+s21+$0x0] =	vst.idx.msk $0xffff, v38  }
0x2dc: {  	v36 =	vld.idx.msk [tilespmem:v59+s17+$0x0], $0xffff  }
0x2dd: {  	v62 =	vor.u32 v61, v12;
	[tilespmem:v40+s21+$0x0] =	vst.idx.msk $0xffff, v32;
	v59 =	vld [tilespmem:$0x1FF80]  }
0x2de: {  	v29 =	vor.u32 v61, v16;
	[tilespmem:v60+s21+$0x0] =	vst.idx.msk $0xffff, v33;
	v33 =	vld.idx.msk [tilespmem:v37+s17+$0x0], $0xffff  }
0x2df: {  	v30 =	vor.u32 v61, v14;
	[tilespmem:v42+s21+$0x0] =	vst.idx.msk $0xffff, v34;
	v26 =	vld.idx.msk [tilespmem:v26+s17+$0x0], $0xffff  }
0x2e0: {  	v58 =	vor.u32 v57, v7;
	v32 =	vor.u32 v61, v21;
	[tilespmem:v46+s21+$0x0] =	vst.idx.msk $0xffff, v35;
	v46 =	vld [tilespmem:$0x1FCA0]  }
0x2e1: {  	v38 =	vor.u32 v56, v25;
	v61 =	vor.u32 v52, v3;
	[tilespmem:v63+s21+$0x0] =	vst.idx.msk $0xffff, v44;
	v63 =	vld [tilespmem:$0x1FF10]  }
0x2e2: {  	v60 =	vld.idx.msk [tilespmem:v62+s17+$0x0], $0xffff;
	v62 =	vor.u32 v59, v23  }
0x2e3: {  	v29 =	vld.idx.msk [tilespmem:v29+s17+$0x0], $0xffff;
	v44 =	vor.u32 v59, v17  }
0x2e4: {  	v31 =	vor.u32 v55, v24;
	v42 =	vor.u32 v52, v4;
	[tilespmem:v28+s21+$0x0] =	vst.idx.msk $0xffff, v27;
	v27 =	vld.idx.msk [tilespmem:v30+s17+$0x0], $0xffff  }
0x2e5: {  	v28 =	vor.u32 v55, v9;
	v30 =	vld.idx.msk [tilespmem:v32+s17+$0x0], $0xffff;
	v35 =	vor.u32 v59, v15;
	[tilespmem:v58+s21+$0x0] =	vst.idx.msk $0xffff, v36  }
0x2e6: {  	[tilespmem:v61+s21+$0x0] =	vst.idx.msk $0xffff, v33;
	v36 =	vor.u32 v63, v14;
	v33 =	vld.idx.msk [tilespmem:v38+s17+$0x0], $0xffff  }
0x2e7: {  	v54 =	vor.u32 v63, v12;
	[tilespmem:v62+s21+$0x0] =	vst.idx.msk $0xffff, v60;
	v60 =	vld [tilespmem:$0x1FE90]  }
0x2e8: {  	v39 =	vor.u32 v59, v22;
	v32 =	vor.u32 v63, v16;
	[tilespmem:v44+s21+$0x0] =	vst.idx.msk $0xffff, v29;
	v44 =	vld [tilespmem:$0x1FC90]  }
0x2e9: {  	[tilespmem:v42+s21+$0x0] =	vst.idx.msk $0xffff, v26;
	v58 =	vor.u32 v63, v21;
	v31 =	vld.idx.msk [tilespmem:v31+s17+$0x0], $0xffff  }
0x2ea: {  	v28 =	vld.idx.msk [tilespmem:v28+s17+$0x0], $0xffff;
	[tilespmem:v35+s21+$0x0] =	vst.idx.msk $0xffff, v27;
	v27 =	vor.u32 v57, v4  }
0x2eb: {  	v47 =	vor.u32 v56, v9;
	v42 =	vor.u32 v43, v15;
	v35 =	vld.idx.msk [tilespmem:v36+s17+$0x0], $0xffff  }
0x2ec: {  	v61 =	vld.idx.msk [tilespmem:v54+s17+$0x0], $0xffff;
	v59 =	vor.u32 v60, v7  }
0x2ed: {  	[tilespmem:v39+s21+$0x0] =	vst.idx.msk $0xffff, v30;
	v32 =	vld.idx.msk [tilespmem:v32+s17+$0x0], $0xffff;
	v54 =	vor.u32 v44, v14  }
0x2ee: {  	v25 =	vor.u32 v53, v25;
	v26 =	vor.u32 v43, v23;
	v62 =	vor.u32 v57, v3;
	v37 =	vld.idx.msk [tilespmem:v58+s17+$0x0], $0xffff  }
0x2ef: {  	v29 =	vor.u32 v56, v24;
	v36 =	vor.u32 v51, v8;
	v51 =	vld [tilespmem:$0x1FDE0];
	[tilespmem:v27+s21+$0x0] =	vst.idx.msk $0xffff, v28  }
0x2f0: {  	v28 =	vld.idx.msk [tilespmem:v47+s17+$0x0], $0xffff;
	[tilespmem:v42+s21+$0x0] =	vst.idx.msk $0xffff, v35  }
0x2f1: {  	v63 =	vor.u32 v44, v12;
	[tilespmem:v59+s21+$0x0] =	vst.idx.msk $0xffff, v33;
	v59 =	vld [tilespmem:$0x1FDC0]  }
0x2f2: {  	v34 =	vld.idx.msk [tilespmem:v54+s17+$0x0], $0xffff  }
0x2f3: {  	v30 =	vor.u32 v43, v17;
	[tilespmem:v62+s21+$0x0] =	vst.idx.msk $0xffff, v31;
	v25 =	vld.idx.msk [tilespmem:v25+s17+$0x0], $0xffff  }
0x2f4: {  	v39 =	vor.u32 v44, v16;
	v33 =	vor.u32 v43, v22;
	[tilespmem:v26+s21+$0x0] =	vst.idx.msk $0xffff, v61;
	v26 =	vld.idx.msk [tilespmem:v29+s17+$0x0], $0xffff  }
0x2f5: {  	v35 =	vor.u32 v60, v4;
	v61 =	vld [tilespmem:$0x1FDD0]  }
0x2f6: {  	v58 =	vor.u32 v46, v15;
	v38 =	vld.idx.msk [tilespmem:v63+s17+$0x0], $0xffff  }
0x2f7: {  	v31 =	vor.u32 v44, v21;
	v40 =	vor.u32 v60, v3;
	v63 =	vld [tilespmem:$0x1FF90]  }
0x2f8: {  	[tilespmem:v30+s21+$0x0] =	vst.idx.msk $0xffff, v32;
	v42 =	vld [tilespmem:$0x1FCB0];
	v29 =	vor.u32 v59, v7  }
0x2f9: {  	v24 =	vor.u32 v53, v24;
	v32 =	vld.idx.msk [tilespmem:v39+s17+$0x0], $0xffff;
	[tilespmem:v33+s21+$0x0] =	vst.idx.msk $0xffff, v37;
	v33 =	vor.u32 v46, v17  }
0x2fa: {  	v27 =	vor.u32 v46, v23;
	v47 =	vld [tilespmem:$0x1FF20];
	[tilespmem:v35+s21+$0x0] =	vst.idx.msk $0xffff, v28;
	v62 =	vor.u32 v61, v6  }
0x2fb: {  	[tilespmem:v58+s21+$0x0] =	vst.idx.msk $0xffff, v34;
	v58 =	vor.u32 v50, v0;
	v50 =	vld [tilespmem:$0x1FE10]  }
0x2fc: {  	v31 =	vld.idx.msk [tilespmem:v31+s17+$0x0], $0xffff;
	[tilespmem:v40+s21+$0x0] =	vst.idx.msk $0xffff, v26;
	v30 =	vor.u32 v63, v12;
	v54 =	vor.u32 v63, v16  }
0x2fd: {  	v40 =	vor.u32 v63, v21;
	[tilespmem:v29+s21+$0x0] =	vst.idx.msk $0xffff, v25;
	v29 =	vor.u32 v63, v14;
	v63 =	vld [tilespmem:$0x1FDF0]  }
0x2fe: {  	v24 =	vld.idx.msk [tilespmem:v24+s17+$0x0], $0xffff;
	v25 =	vor.u32 v46, v22;
	[tilespmem:v33+s21+$0x0] =	vst.idx.msk $0xffff, v32  }
0x2ff: {  	v26 =	vld.idx.msk [tilespmem:v62+s17+$0x0], $0xffff;
	[tilespmem:v27+s21+$0x0] =	vst.idx.msk $0xffff, v38;
	v27 =	vor.u32 v51, v7  }
0x300: {  	v38 =	vor.u32 v59, v3;
	v33 =	vld.idx.msk [tilespmem:v36+s17+$0x0], $0xffff  }
0x301: {  	v30 =	vld.idx.msk [tilespmem:v30+s17+$0x0], $0xffff  }
0x302: {  	v28 =	vor.u32 v42, v23;
	v35 =	vor.u32 v47, v12;
	v54 =	vld.idx.msk [tilespmem:v54+s17+$0x0], $0xffff;
	v41 =	vor.u32 v63, v6  }
0x303: {  	v39 =	vor.u32 v47, v16;
	v32 =	vor.u32 v61, v2;
	[tilespmem:v25+s21+$0x0] =	vst.idx.msk $0xffff, v31;
	v29 =	vld.idx.msk [tilespmem:v29+s17+$0x0], $0xffff  }
0x304: {  	v62 =	vor.u32 v42, v15;
	v25 =	vor.u32 v42, v17;
	v37 =	vld.idx.msk [tilespmem:v40+s17+$0x0], $0xffff;
	[tilespmem:v27+s21+$0x0] =	vst.idx.msk $0xffff, v26  }
0x305: {  	v27 =	vor.u32 v47, v14;
	[tilespmem:v38+s21+$0x0] =	vst.idx.msk $0xffff, v24;
	v38 =	vor.u32 v47, v21;
	v47 =	vld [tilespmem:$0x1FE00]  }
0x306: {  	[tilespmem:v58+s21+$0x0] =	vst.idx.msk $0xffff, v33;
	v58 =	vld [tilespmem:$0x1FFA0]  }
0x307: {  	v24 =	vld.idx.msk [tilespmem:v41+s17+$0x0], $0xffff  }
0x308: {  	v31 =	vor.u32 v48, v8;
	[tilespmem:v28+s21+$0x0] =	vst.idx.msk $0xffff, v30;
	v28 =	vld.idx.msk [tilespmem:v32+s17+$0x0], $0xffff  }
0x309: {  	[tilespmem:v25+s21+$0x0] =	vst.idx.msk $0xffff, v54;
	v54 =	vld [tilespmem:$0x1FC20]  }
0x30a: {  	v26 =	vor.u32 v42, v22;
	[tilespmem:v62+s21+$0x0] =	vst.idx.msk $0xffff, v29;
	v29 =	vor.u32 v52, v0;
	v52 =	vld [tilespmem:$0x1FE20]  }
0x30b: {  	v62 =	vor.u32 v55, v8;
	v55 =	vld [tilespmem:$0x1FC30];
	v30 =	vor.u32 v47, v7  }
0x30c: {  	v32 =	vld.idx.msk [tilespmem:v35+s17+$0x0], $0xffff;
	v35 =	vor.u32 v51, v3  }
0x30d: {  	v31 =	vld.idx.msk [tilespmem:v31+s17+$0x0], $0xffff  }
0x30e: {  	v41 =	vor.u32 v50, v6;
	v25 =	vor.u32 v63, v2;
	v36 =	vld.idx.msk [tilespmem:v39+s17+$0x0], $0xffff  }
0x30f: {  	v33 =	vor.u32 v58, v23;
	[tilespmem:v26+s21+$0x0] =	vst.idx.msk $0xffff, v37;
	v26 =	vor.u32 v58, v17;
	v27 =	vld.idx.msk [tilespmem:v27+s17+$0x0], $0xffff  }
0x310: {  	v38 =	vld.idx.msk [tilespmem:v38+s17+$0x0], $0xffff;
	v34 =	vor.u32 v54, v12;
	v39 =	vor.u32 v54, v16;
	[tilespmem:v30+s21+$0x0] =	vst.idx.msk $0xffff, v24  }
0x311: {  	v30 =	vor.u32 v54, v14;
	[tilespmem:v35+s21+$0x0] =	vst.idx.msk $0xffff, v28;
	v35 =	vor.u32 v54, v21;
	v54 =	vld [tilespmem:$0x1FE30]  }
0x312: {  	v40 =	vor.u32 v58, v15;
	v24 =	vor.u32 v58, v22;
	v58 =	vld [tilespmem:$0x1FFB0]  }
0x313: {  	[tilespmem:v29+s21+$0x0] =	vst.idx.msk $0xffff, v31;
	v28 =	vld.idx.msk [tilespmem:v41+s17+$0x0], $0xffff  }
0x314: {  	v25 =	vld.idx.msk [tilespmem:v25+s17+$0x0], $0xffff;
	[tilespmem:v26+s21+$0x0] =	vst.idx.msk $0xffff, v36  }
0x315: {  	[tilespmem:v33+s21+$0x0] =	vst.idx.msk $0xffff, v32;
	v31 =	vld.idx.msk [tilespmem:v62+s17+$0x0], $0xffff  }
0x316: {  	v33 =	vld.idx.msk [tilespmem:v34+s17+$0x0], $0xffff  }
0x317: {  	[tilespmem:v40+s21+$0x0] =	vst.idx.msk $0xffff, v27;
	v32 =	vor.u32 v52, v7;
	v37 =	vld.idx.msk [tilespmem:v39+s17+$0x0], $0xffff  }
0x318: {  	v9 =	vor.u32 v53, v9;
	v27 =	vor.u32 v57, v0;
	v34 =	vor.u32 v47, v3;
	v30 =	vld.idx.msk [tilespmem:v30+s17+$0x0], $0xffff  }
0x319: {  	v41 =	vor.u32 v54, v6;
	[tilespmem:v24+s21+$0x0] =	vst.idx.msk $0xffff, v38;
	v38 =	vor.u32 v56, v8;
	v56 =	vld [tilespmem:$0x1FE40]  }
0x31a: {  	v26 =	vor.u32 v50, v2;
	v62 =	vor.u32 v55, v19;
	v8 =	vor.u32 v53, v8;
	v53 =	vld [tilespmem:$0x1FF30]  }
0x31b: {  	v39 =	vor.u32 v55, v13;
	v29 =	vor.u32 v58, v23;
	v24 =	vor.u32 v58, v17;
	v35 =	vld.idx.msk [tilespmem:v35+s17+$0x0], $0xffff  }
0x31c: {  	v40 =	vor.u32 v58, v15;
	[tilespmem:v32+s21+$0x0] =	vst.idx.msk $0xffff, v28;
	v28 =	vor.u32 v58, v22;
	v58 =	vld [tilespmem:$0x1FE50]  }
0x31d: {  	v32 =	vor.u32 v55, v20;
	[tilespmem:v27+s21+$0x0] =	vst.idx.msk $0xffff, v31;
	v27 =	vor.u32 v55, v18;
	v55 =	vld [tilespmem:$0x1FFC0]  }
0x31e: {  	[tilespmem:v34+s21+$0x0] =	vst.idx.msk $0xffff, v25;
	v25 =	vld.idx.msk [tilespmem:v41+s17+$0x0], $0xffff  }
0x31f: {  	v41 =	vld [tilespmem:$0x1FCC0]  }
0x320: {  	v26 =	vld.idx.msk [tilespmem:v26+s17+$0x0], $0xffff  }
0x321: {  	[tilespmem:v40+s21+$0x0] =	vst.idx.msk $0xffff, v30;
	v40 =	vld [tilespmem:$0x1FCD0]  }
0x322: {  	[tilespmem:v29+s21+$0x0] =	vst.idx.msk $0xffff, v33;
	v29 =	vor.u32 v56, v7;
	v30 =	vor.u32 v60, v0;
	v60 =	vld [tilespmem:$0x1FE60]  }
0x323: {  	v34 =	vor.u32 v52, v3;
	[tilespmem:v24+s21+$0x0] =	vst.idx.msk $0xffff, v37;
	v33 =	vld.idx.msk [tilespmem:v62+s17+$0x0], $0xffff;
	v62 =	vor.u32 v58, v6  }
0x324: {  	v24 =	vld.idx.msk [tilespmem:v38+s17+$0x0], $0xffff  }
0x325: {  	v38 =	vld.idx.msk [tilespmem:v39+s17+$0x0], $0xffff  }
0x326: {  	[tilespmem:v28+s21+$0x0] =	vst.idx.msk $0xffff, v35;
	v32 =	vld.idx.msk [tilespmem:v32+s17+$0x0], $0xffff;
	v31 =	vor.u32 v41, v23  }
0x327: {  	v9 =	vld.idx.msk [tilespmem:v9+s17+$0x0], $0xffff;
	v39 =	vor.u32 v41, v15;
	[tilespmem:v29+s21+$0x0] =	vst.idx.msk $0xffff, v25  }
0x328: {  	v57 =	vor.u32 v55, v19;
	v28 =	vor.u32 v41, v17;
	[tilespmem:v34+s21+$0x0] =	vst.idx.msk $0xffff, v26;
	v26 =	vld.idx.msk [tilespmem:v62+s17+$0x0], $0xffff  }
0x329: {  	v62 =	vld [tilespmem:$0x1FE70]  }
0x32a: {  	v35 =	vor.u32 v55, v13;
	v25 =	vor.u32 v55, v20;
	v27 =	vld.idx.msk [tilespmem:v27+s17+$0x0], $0xffff;
	[tilespmem:v30+s21+$0x0] =	vst.idx.msk $0xffff, v24  }
0x32b: {  	v34 =	vor.u32 v41, v22;
	v24 =	vor.u32 v55, v18;
	v55 =	vld [tilespmem:$0x1FD50];
	[tilespmem:v31+s21+$0x0] =	vst.idx.msk $0xffff, v33  }
0x32c: {  	v29 =	vor.u32 v59, v4;
	[tilespmem:v39+s21+$0x0] =	vst.idx.msk $0xffff, v32;
	v32 =	vor.u32 v59, v0;
	v59 =	vld [tilespmem:$0x1FF40]  }
0x32d: {  	v31 =	vor.u32 v60, v7;
	v33 =	vor.u32 v61, v5;
	[tilespmem:v28+s21+$0x0] =	vst.idx.msk $0xffff, v38;
	v36 =	vld.idx.msk [tilespmem:v57+s17+$0x0], $0xffff  }
0x32e: {  	v57 =	vor.u32 v62, v6;
	v8 =	vld.idx.msk [tilespmem:v8+s17+$0x0], $0xffff  }
0x32f: {  	v30 =	vor.u32 v40, v23;
	v35 =	vld.idx.msk [tilespmem:v35+s17+$0x0], $0xffff  }
0x330: {  	v25 =	vld.idx.msk [tilespmem:v25+s17+$0x0], $0xffff;
	[tilespmem:v34+s21+$0x0] =	vst.idx.msk $0xffff, v27  }
0x331: {  	[tilespmem:v29+s21+$0x0] =	vst.idx.msk $0xffff, v9;
	v29 =	vor.u32 v40, v15;
	v24 =	vld.idx.msk [tilespmem:v24+s17+$0x0], $0xffff  }
0x332: {  	v28 =	vor.u32 v53, v19;
	v38 =	vor.u32 v40, v17;
	[tilespmem:v31+s21+$0x0] =	vst.idx.msk $0xffff, v26;
	v26 =	vld.idx.msk [tilespmem:v33+s17+$0x0], $0xffff  }
0x333: {  	v61 =	vor.u32 v61, v1;
	v31 =	vld.idx.msk [tilespmem:v57+s17+$0x0], $0xffff  }
0x334: {  	v9 =	vor.u32 v53, v13;
	v27 =	vor.u32 v53, v20;
	[tilespmem:v30+s21+$0x0] =	vst.idx.msk $0xffff, v36;
	v57 =	vld [tilespmem:$0x1FD70]  }
0x335: {  	v33 =	vor.u32 v51, v4;
	[tilespmem:v32+s21+$0x0] =	vst.idx.msk $0xffff, v8;
	v8 =	vor.u32 v53, v18;
	v53 =	vld [tilespmem:$0x1FFD0]  }
0x336: {  	[tilespmem:v29+s21+$0x0] =	vst.idx.msk $0xffff, v25;
	v25 =	vor.u32 v51, v0;
	v51 =	vld [tilespmem:$0x1FD60]  }
0x337: {  	v36 =	vor.u32 v40, v22;
	v28 =	vld.idx.msk [tilespmem:v28+s17+$0x0], $0xffff;
	[tilespmem:v38+s21+$0x0] =	vst.idx.msk $0xffff, v35  }
0x338: {  	v35 =	vld.idx.msk [tilespmem:v61+s17+$0x0], $0xffff  }
0x339: {  	v39 =	vor.u32 v63, v1;
	v34 =	vor.u32 v63, v5;
	v30 =	vor.u32 v55, v7;
	v27 =	vld.idx.msk [tilespmem:v27+s17+$0x0], $0xffff  }
0x33a: {  	v38 =	vld [tilespmem:$0x1FCF0];
	v61 =	vor.u32 v59, v19;
	[tilespmem:v33+s21+$0x0] =	vst.idx.msk $0xffff, v26;
	v26 =	vor.u32 v59, v13  }
0x33b: {  	v9 =	vld.idx.msk [tilespmem:v9+s17+$0x0], $0xffff;
	v37 =	vor.u32 v57, v6;
	v32 =	vor.u32 v53, v23;
	v29 =	vor.u32 v53, v17  }
0x33c: {  	v33 =	vor.u32 v53, v15;
	[tilespmem:v36+s21+$0x0] =	vst.idx.msk $0xffff, v24;
	v36 =	vor.u32 v53, v22;
	v53 =	vld [tilespmem:$0x1FD40]  }
0x33d: {  	v24 =	vor.u32 v59, v20;
	[tilespmem:v25+s21+$0x0] =	vst.idx.msk $0xffff, v35;
	v25 =	vor.u32 v59, v18;
	v59 =	vld [tilespmem:$0x1FFE0]  }
0x33e: {  	[tilespmem:v30+s21+$0x0] =	vst.idx.msk $0xffff, v31;
	v30 =	vld.idx.msk [tilespmem:v34+s17+$0x0], $0xffff  }
0x33f: {  	v8 =	vld.idx.msk [tilespmem:v8+s17+$0x0], $0xffff  }
0x340: {  	v31 =	vld.idx.msk [tilespmem:v37+s17+$0x0], $0xffff;
	[tilespmem:v32+s21+$0x0] =	vst.idx.msk $0xffff, v28;
	v28 =	vor.u32 v51, v7  }
0x341: {  	v34 =	vor.u32 v47, v4;
	v6 =	vor.u32 v53, v6;
	[tilespmem:v29+s21+$0x0] =	vst.idx.msk $0xffff, v9;
	v61 =	vld.idx.msk [tilespmem:v61+s17+$0x0], $0xffff  }
0x342: {  	v9 =	vld.idx.msk [tilespmem:v39+s17+$0x0], $0xffff;
	v63 =	vor.u32 v59, v23  }
0x343: {  	v39 =	vld [tilespmem:$0x1FCE0]  }
0x344: {  	[tilespmem:v33+s21+$0x0] =	vst.idx.msk $0xffff, v27;
	v27 =	vor.u32 v47, v0;
	v26 =	vld.idx.msk [tilespmem:v26+s17+$0x0], $0xffff  }
0x345: {  	v32 =	vor.u32 v50, v5;
	v24 =	vld.idx.msk [tilespmem:v24+s17+$0x0], $0xffff;
	v33 =	vor.u32 v59, v17;
	[tilespmem:v28+s21+$0x0] =	vst.idx.msk $0xffff, v31  }
0x346: {  	[tilespmem:v34+s21+$0x0] =	vst.idx.msk $0xffff, v30;
	v34 =	vor.u32 v59, v15;
	v6 =	vld.idx.msk [tilespmem:v6+s17+$0x0], $0xffff  }
0x347: {  	v50 =	vor.u32 v50, v1;
	[tilespmem:v63+s21+$0x0] =	vst.idx.msk $0xffff, v61;
	v61 =	vld [tilespmem:$0x1FD30]  }
0x348: {  	v47 =	vld [tilespmem:$0x1FF50];
	[tilespmem:v36+s21+$0x0] =	vst.idx.msk $0xffff, v8;
	v29 =	vor.u32 v39, v19  }
0x349: {  	v25 =	vld.idx.msk [tilespmem:v25+s17+$0x0], $0xffff;
	v35 =	vor.u32 v59, v22;
	v8 =	vor.u32 v39, v20;
	[tilespmem:v27+s21+$0x0] =	vst.idx.msk $0xffff, v9  }
0x34a: {  	v28 =	vld.idx.msk [tilespmem:v32+s17+$0x0], $0xffff;
	v31 =	vor.u32 v52, v4;
	[tilespmem:v33+s21+$0x0] =	vst.idx.msk $0xffff, v26  }
0x34b: {  	v30 =	vor.u32 v39, v13;
	[tilespmem:v34+s21+$0x0] =	vst.idx.msk $0xffff, v24;
	v24 =	vor.u32 v52, v0;
	v52 =	vld [tilespmem:$0x1FFF0]  }
0x34c: {  	v26 =	vld.idx.msk [tilespmem:v50+s17+$0x0], $0xffff;
	v7 =	vor.u32 v61, v7  }
0x34d: {  	v9 =	vor.u32 v39, v18;
	v27 =	vor.u32 v47, v23;
	v63 =	vor.u32 v54, v2;
	v29 =	vld.idx.msk [tilespmem:v29+s17+$0x0], $0xffff  }
0x34e: {  	v34 =	vor.u32 v47, v17;
	[tilespmem:v35+s21+$0x0] =	vst.idx.msk $0xffff, v25;
	v50 =	vor.u32 v38, v19;
	v8 =	vld.idx.msk [tilespmem:v8+s17+$0x0], $0xffff  }
0x34f: {  	v35 =	vor.u32 v47, v22;
	[tilespmem:v31+s21+$0x0] =	vst.idx.msk $0xffff, v28;
	v31 =	vor.u32 v47, v15;
	v47 =	vld [tilespmem:$0x1FF60]  }
0x350: {  	v32 =	vor.u32 v54, v5;
	v30 =	vld.idx.msk [tilespmem:v30+s17+$0x0], $0xffff  }
0x351: {  	v59 =	vor.u32 v54, v1;
	[tilespmem:v7+s21+$0x0] =	vst.idx.msk $0xffff, v6  }
0x352: {  	v28 =	vor.u32 v38, v13;
	v9 =	vld.idx.msk [tilespmem:v9+s17+$0x0], $0xffff;
	[tilespmem:v27+s21+$0x0] =	vst.idx.msk $0xffff, v29  }
0x353: {  	[tilespmem:v24+s21+$0x0] =	vst.idx.msk $0xffff, v26;
	v26 =	vor.u32 v52, v23;
	v7 =	vor.u32 v38, v20;
	v33 =	vld.idx.msk [tilespmem:v50+s17+$0x0], $0xffff  }
0x354: {  	v25 =	vld.idx.msk [tilespmem:v63+s17+$0x0], $0xffff;
	v54 =	vor.u32 v47, v19  }
0x355: {  	v63 =	vor.u32 v56, v4;
	[tilespmem:v34+s21+$0x0] =	vst.idx.msk $0xffff, v30;
	v6 =	vld.idx.msk [tilespmem:v32+s17+$0x0], $0xffff  }
0x356: {  	v30 =	vld.idx.msk [tilespmem:v59+s17+$0x0], $0xffff;
	v27 =	vor.u32 v56, v3  }
0x357: {  	v28 =	vld.idx.msk [tilespmem:v28+s17+$0x0], $0xffff;
	[tilespmem:v31+s21+$0x0] =	vst.idx.msk $0xffff, v8;
	v29 =	vor.u32 v58, v5  }
0x358: {  	v36 =	vor.u32 v58, v2;
	v8 =	vor.u32 v56, v0;
	v7 =	vld.idx.msk [tilespmem:v7+s17+$0x0], $0xffff;
	[tilespmem:v26+s21+$0x0] =	vst.idx.msk $0xffff, v33  }
0x359: {  	v24 =	vor.u32 v38, v18;
	v31 =	vor.u32 v52, v17;
	v34 =	vld.idx.msk [tilespmem:v54+s17+$0x0], $0xffff  }
0x35a: {  	v59 =	vor.u32 v58, v1;
	[tilespmem:v63+s21+$0x0] =	vst.idx.msk $0xffff, v6;
	v54 =	vld [tilespmem:$0x1FEB0]  }
0x35b: {  	v56 =	vld [tilespmem:$0x1FF00];
	v6 =	vor.u32 v47, v13;
	v63 =	vor.u32 v52, v15;
	[tilespmem:v27+s21+$0x0] =	vst.idx.msk $0xffff, v25  }
0x35c: {  	v25 =	vld.idx.msk [tilespmem:v29+s17+$0x0], $0xffff;
	v29 =	vor.u32 v60, v4;
	[tilespmem:v35+s21+$0x0] =	vst.idx.msk $0xffff, v9;
	v9 =	vor.u32 v47, v20  }
0x35d: {  	[tilespmem:v8+s21+$0x0] =	vst.idx.msk $0xffff, v30;
	v26 =	vor.u32 v60, v3;
	v33 =	vor.u32 v62, v5;
	v27 =	vld.idx.msk [tilespmem:v36+s17+$0x0], $0xffff  }
0x35e: {  	[tilespmem:v31+s21+$0x0] =	vst.idx.msk $0xffff, v28;
	v35 =	vor.u32 v52, v22;
	v24 =	vld.idx.msk [tilespmem:v24+s17+$0x0], $0xffff  }
0x35f: {  	v52 =	vor.u32 v62, v2;
	v28 =	vld.idx.msk [tilespmem:v59+s17+$0x0], $0xffff;
	v30 =	vor.u32 v54, v23  }
0x360: {  	v8 =	vor.u32 v47, v18;
	v6 =	vld.idx.msk [tilespmem:v6+s17+$0x0], $0xffff;
	[tilespmem:v63+s21+$0x0] =	vst.idx.msk $0xffff, v7  }
0x361: {  	v31 =	vor.u32 v56, v19;
	v7 =	vor.u32 v60, v0;
	v9 =	vld.idx.msk [tilespmem:v9+s17+$0x0], $0xffff;
	[tilespmem:v29+s21+$0x0] =	vst.idx.msk $0xffff, v25  }
0x362: {  	v59 =	vor.u32 v62, v1;
	v58 =	vor.u32 v54, v17;
	[tilespmem:v26+s21+$0x0] =	vst.idx.msk $0xffff, v27;
	v26 =	vld.idx.msk [tilespmem:v33+s17+$0x0], $0xffff  }
0x363: {  	v29 =	vor.u32 v54, v15;
	v63 =	vor.u32 v54, v22;
	v54 =	vld [tilespmem:$0x1FC40];
	[tilespmem:v35+s21+$0x0] =	vst.idx.msk $0xffff, v24  }
0x364: {  	v25 =	vor.u32 v56, v13;
	v27 =	vld.idx.msk [tilespmem:v52+s17+$0x0], $0xffff;
	[tilespmem:v30+s21+$0x0] =	vst.idx.msk $0xffff, v34;
	v30 =	vor.u32 v55, v3  }
0x365: {  	v24 =	vor.u32 v56, v20;
	v8 =	vld.idx.msk [tilespmem:v8+s17+$0x0], $0xffff  }
0x366: {  	v52 =	vor.u32 v57, v2;
	[tilespmem:v7+s21+$0x0] =	vst.idx.msk $0xffff, v28;
	v7 =	vor.u32 v56, v18;
	v56 =	vld [tilespmem:$0x1FC50]  }
0x367: {  	v60 =	vor.u32 v55, v4;
	[tilespmem:v58+s21+$0x0] =	vst.idx.msk $0xffff, v6;
	v31 =	vld.idx.msk [tilespmem:v31+s17+$0x0], $0xffff  }
0x368: {  	[tilespmem:v29+s21+$0x0] =	vst.idx.msk $0xffff, v9;
	v6 =	vld.idx.msk [tilespmem:v59+s17+$0x0], $0xffff  }
0x369: {  	v9 =	vor.u32 v55, v0;
	v25 =	vld.idx.msk [tilespmem:v25+s17+$0x0], $0xffff;
	[tilespmem:v30+s21+$0x0] =	vst.idx.msk $0xffff, v27  }
0x36a: {  	v29 =	vor.u32 v54, v17;
	v24 =	vld.idx.msk [tilespmem:v24+s17+$0x0], $0xffff;
	[tilespmem:v63+s21+$0x0] =	vst.idx.msk $0xffff, v8  }
0x36b: {  	v28 =	vor.u32 v54, v23;
	v59 =	vor.u32 v57, v1;
	v30 =	vld.idx.msk [tilespmem:v52+s17+$0x0], $0xffff  }
0x36c: {  	[tilespmem:v60+s21+$0x0] =	vst.idx.msk $0xffff, v26;
	v26 =	vor.u32 v56, v16;
	v52 =	vld [tilespmem:$0x1FEC0]  }
0x36d: {  	v34 =	vor.u32 v57, v5  }
0x36e: {  	[tilespmem:v9+s21+$0x0] =	vst.idx.msk $0xffff, v6  }
0x36f: {  	v37 =	vld [tilespmem:$0x1FD00];
	v60 =	vor.u32 v54, v15;
	v58 =	vor.u32 v56, v12;
	[tilespmem:v29+s21+$0x0] =	vst.idx.msk $0xffff, v25  }
0x370: {  	[tilespmem:v28+s21+$0x0] =	vst.idx.msk $0xffff, v31;
	v31 =	vor.u32 v54, v22;
	v54 =	vor.u32 v51, v0;
	v25 =	vld.idx.msk [tilespmem:v59+s17+$0x0], $0xffff  }
0x371: {  	v8 =	vor.u32 v56, v14;
	v26 =	vld.idx.msk [tilespmem:v26+s17+$0x0], $0xffff;
	v55 =	vor.u32 v52, v17  }
0x372: {  	v1 =	vor.u32 v53, v1;
	v27 =	vld.idx.msk [tilespmem:v34+s17+$0x0], $0xffff;
	v63 =	vor.u32 v51, v4  }
0x373: {  	v62 =	vld [tilespmem:$0x1FBF0];
	v28 =	vor.u32 v51, v3  }
0x374: {  	v5 =	vor.u32 v53, v5;
	[tilespmem:v60+s21+$0x0] =	vst.idx.msk $0xffff, v24;
	v7 =	vld.idx.msk [tilespmem:v7+s17+$0x0], $0xffff  }
0x375: {  	v2 =	vor.u32 v53, v2;
	v32 =	vld.idx.msk [tilespmem:v58+s17+$0x0], $0xffff;
	[tilespmem:v54+s21+$0x0] =	vst.idx.msk $0xffff, v25  }
0x376: {  	v6 =	vor.u32 v56, v21;
	v8 =	vld.idx.msk [tilespmem:v8+s17+$0x0], $0xffff;
	v9 =	vor.u32 v52, v23;
	[tilespmem:v55+s21+$0x0] =	vst.idx.msk $0xffff, v26  }
0x377: {  	v29 =	vor.u32 v37, v12;
	[tilespmem:v63+s21+$0x0] =	vst.idx.msk $0xffff, v27;
	v60 =	vld.idx.msk [tilespmem:v1+s17+$0x0], $0xffff  }
0x378: {  	v56 =	vor.u32 v52, v15;
	[tilespmem:v28+s21+$0x0] =	vst.idx.msk $0xffff, v30;
	v1 =	vld [tilespmem:$0x1FD10]  }
0x379: {  	v4 =	vor.u32 v61, v4;
	v30 =	vld.idx.msk [tilespmem:v5+s17+$0x0], $0xffff;
	[tilespmem:v31+s21+$0x0] =	vst.idx.msk $0xffff, v7;
	v7 =	vor.u32 v37, v14  }
0x37a: {  	v3 =	vor.u32 v61, v3;
	v24 =	vmov v21;
	v31 =	vld.idx.msk [tilespmem:v2+s17+$0x0], $0xffff  }
0x37b: {  	v27 =	vor.u32 v37, v16;
	v58 =	vor.u32 v52, v22;
	v57 =	vld.idx.msk [tilespmem:v6+s17+$0x0], $0xffff;
	[tilespmem:v9+s21+$0x0] =	vst.idx.msk $0xffff, v32  }
0x37c: {  	v59 =	vor.u32 v37, v24;
	v5 =	vmov v20;
	v20 =	vor.u32 v49, v23;
	v21 =	vld.idx.msk [tilespmem:v29+s17+$0x0], $0xffff  }
0x37d: {  	p1 =	slt.u32 s29, $0xC;
	v36 =	vld [tilespmem:$0x1FD10];
	v63 =	vor.u32 v61, v0;
	[tilespmem:v56+s21+$0x0] =	vst.idx.msk $0xffff, v8;
	v26 =	vor.u32 v1, v12  }
.Ltmp7:
0x37e: {  	v11 =	vor.u32 v10, v23;
	v0 =	vmov v17;
	v28 =	vld.idx.msk [tilespmem:v7+s17+$0x0], $0xffff;
	[tilespmem:v4+s21+$0x0] =	vst.idx.msk $0xffff, v30;
	(pc) =	sbr.rel @p1 .LBB2_8-.Ltmp7, $4  }
0x37f: {  	v35 =	vld [tilespmem:$0x1FC70];
	v25 =	vmovc v12;
	v2 =	vmovc v18;
	v6 =	vmov v19;
	v9 =	vmov v14;
	[tilespmem:v3+s21+$0x0] =	vst.idx.msk $0xffff, v31;
	v3 =	vmov v22  }
0x380: {  	v8 =	vmov v16;
	v27 =	vld.idx.msk [tilespmem:v27+s17+$0x0], $0xffff;
	v4 =	vmov v15;
	[tilespmem:v58+s21+$0x0] =	vst.idx.msk $0xffff, v57;
	v29 =	vor.u32 v49, v3  }
0x381: {  	s28 =	sadd.s32 $0x4, s29;
	v7 =	vmov v23;
	v23 =	vld.idx.msk [tilespmem:v59+s17+$0x0], $0xffff;
	v1 =	vmov v13;
	v12 =	vor.u32 v49, v15;
	[tilespmem:v20+s21+$0x0] =	vst.idx.msk $0xffff, v21  }
0x382: {  	s29 =	smov.u32 s28;
	v45 =	vlaneseq.u32;
	v15 =	vor.u32 v36, v9;
	[tilespmem:v63+s21+$0x0] =	vst.idx.msk $0xffff, v60;
	v22 =	vld.idx.msk [tilespmem:v26+s17+$0x0], $0xffff;
	v26 =	vor.u32 v48, v9  }
0x383: {  	v13 =	vld [tilespmem:$0x1FEF0];
	_ =	sdelay $0x4  }
0x384: {  	[tilespmem:v12+s21+$0x0] =	vst.idx.msk $0xffff, v28;
	v13 =	vor.u32 v13, v0  }
0x385: {  	v31 =	vld [tilespmem:$0x1FD90];
	_ =	sdelay $0x1  }
0x386: {  	[tilespmem:v29+s21+$0x0] =	vst.idx.msk $0xffff, v23  }
0x387: {  	[tilespmem:v11+s21+$0x0] =	vst.idx.msk $0xffff, v22  }
0x388: {  	v14 =	vor.u32 v36, v8;
	v15 =	vld.idx.msk [tilespmem:v15+s17+$0x0], $0xffff;
	[tilespmem:v13+s21+$0x0] =	vst.idx.msk $0xffff, v27  }
0x389: {  	v16 =	vor.u32 v10, v4;
	v32 =	vor.u32 v31, v25;
	v59 =	vld [tilespmem:$0x1FED0];
	_ =	sdelay $0x2  }
0x38a: {  	v17 =	vor.u32 v10, v3;
	v21 =	vld.idx.msk [tilespmem:v62+s17+$0x0], $0xffff  }
0x38b: {  	v19 =	vor.u32 v10, v0;
	v14 =	vld.idx.msk [tilespmem:v14+s17+$0x0], $0xffff  }
0x38c: {  	v18 =	vor.u32 v31, v9;
	v11 =	vld.idx.msk [tilespmem:v32+s17+$0x0], $0xffff;
	[tilespmem:v16+s21+$0x0] =	vst.idx.msk $0xffff, v15;
	v34 =	vor.u32 v59, v7  }
0x38d: {  	v48 =	vld [tilespmem:$0x1FEE0];
	_ =	sdelay $0x1  }
0x38e: {  	[tilespmem:v17+s21+$0x0] =	vst.idx.msk $0xffff, v21  }
0x38f: {  	v33 =	vor.u32 v31, v24;
	[tilespmem:v19+s21+$0x0] =	vst.idx.msk $0xffff, v14  }
0x390: {  	v20 =	vor.u32 v31, v8;
	v49 =	vld.idx.msk [tilespmem:v18+s17+$0x0], $0xffff;
	[tilespmem:v34+s21+$0x0] =	vst.idx.msk $0xffff, v11  }
0x391: {  	v50 =	vor.u32 v59, v4;
	v47 =	vor.u32 v48, v25;
	v21 =	vld [tilespmem:$0x1FC60];
	_ =	sdelay $0x2  }
0x392: {  	v13 =	vld.idx.msk [tilespmem:v33+s17+$0x0], $0xffff;
	v51 =	vor.u32 v59, v3  }
0x393: {  	v54 =	vor.u32 v59, v0;
	v53 =	vld.idx.msk [tilespmem:v20+s17+$0x0], $0xffff  }
0x394: {  	v11 =	vld.idx.msk [tilespmem:v47+s17+$0x0], $0xffff;
	[tilespmem:v50+s21+$0x0] =	vst.idx.msk $0xffff, v49;
	v55 =	vor.u32 v21, v7  }
0x395: {  	v34 =	vld [tilespmem:$0x1FDA0];
	_ =	sdelay $0x1  }
0x396: {  	[tilespmem:v51+s21+$0x0] =	vst.idx.msk $0xffff, v13  }
0x397: {  	v52 =	vor.u32 v48, v24;
	[tilespmem:v54+s21+$0x0] =	vst.idx.msk $0xffff, v53  }
0x398: {  	v20 =	vor.u32 v48, v8;
	v57 =	vld.idx.msk [tilespmem:v26+s17+$0x0], $0xffff;
	[tilespmem:v55+s21+$0x0] =	vst.idx.msk $0xffff, v11  }
0x399: {  	v58 =	vor.u32 v21, v4;
	v56 =	vor.u32 v34, v25;
	v51 =	vld [tilespmem:$0x1FDB0];
	_ =	sdelay $0x2  }
0x39a: {  	v14 =	vld.idx.msk [tilespmem:v52+s17+$0x0], $0xffff;
	v59 =	vor.u32 v21, v3  }
0x39b: {  	v19 =	vld.idx.msk [tilespmem:v20+s17+$0x0], $0xffff;
	v20 =	vor.u32 v21, v0  }
0x39c: {  	v32 =	vor.u32 v34, v9;
	v10 =	vld.idx.msk [tilespmem:v56+s17+$0x0], $0xffff;
	[tilespmem:v58+s21+$0x0] =	vst.idx.msk $0xffff, v57;
	v47 =	vor.u32 v51, v7  }
0x39d: {  	v49 =	vld [tilespmem:$0x1FE80];
	_ =	sdelay $0x1  }
0x39e: {  	[tilespmem:v59+s21+$0x0] =	vst.idx.msk $0xffff, v14  }
0x39f: {  	v33 =	vor.u32 v34, v24;
	[tilespmem:v20+s21+$0x0] =	vst.idx.msk $0xffff, v19  }
0x3a0: {  	v21 =	vor.u32 v34, v8;
	v13 =	vld.idx.msk [tilespmem:v32+s17+$0x0], $0xffff;
	[tilespmem:v47+s21+$0x0] =	vst.idx.msk $0xffff, v10  }
0x3a1: {  	v52 =	vor.u32 v51, v4;
	v50 =	vor.u32 v49, v25;
	v61 =	vld [tilespmem:$0x1FE90];
	_ =	sdelay $0x2  }
0x3a2: {  	v53 =	vld.idx.msk [tilespmem:v33+s17+$0x0], $0xffff;
	v54 =	vor.u32 v51, v3  }
0x3a3: {  	v19 =	vld.idx.msk [tilespmem:v21+s17+$0x0], $0xffff;
	v20 =	vor.u32 v51, v0  }
0x3a4: {  	v55 =	vor.u32 v49, v9;
	v10 =	vld.idx.msk [tilespmem:v50+s17+$0x0], $0xffff;
	[tilespmem:v52+s21+$0x0] =	vst.idx.msk $0xffff, v13;
	v57 =	vor.u32 v61, v7  }
0x3a5: {  	v56 =	vor.u32 v49, v24;
	v21 =	vor.u32 v49, v8;
	v49 =	vld [tilespmem:$0x1FD80];
	_ =	sdelay $0x1  }
0x3a6: {  	[tilespmem:v54+s21+$0x0] =	vst.idx.msk $0xffff, v53  }
0x3a7: {  	[tilespmem:v20+s21+$0x0] =	vst.idx.msk $0xffff, v19  }
0x3a8: {  	v13 =	vld.idx.msk [tilespmem:v55+s17+$0x0], $0xffff;
	[tilespmem:v57+s21+$0x0] =	vst.idx.msk $0xffff, v10  }
0x3a9: {  	v59 =	vor.u32 v61, v4;
	v58 =	vor.u32 v49, v25;
	v63 =	vor.u32 v49, v24;
	v24 =	vld [tilespmem:$0x1FDC0];
	_ =	sdelay $0x2  }
0x3aa: {  	v15 =	vld.idx.msk [tilespmem:v56+s17+$0x0], $0xffff;
	v60 =	vor.u32 v61, v3  }
0x3ab: {  	v47 =	vld.idx.msk [tilespmem:v21+s17+$0x0], $0xffff;
	v50 =	vor.u32 v61, v0  }
0x3ac: {  	v62 =	vor.u32 v49, v9;
	v10 =	vld.idx.msk [tilespmem:v58+s17+$0x0], $0xffff;
	[tilespmem:v59+s21+$0x0] =	vst.idx.msk $0xffff, v13;
	v52 =	vor.u32 v24, v7  }
0x3ad: {  	v33 =	vld [tilespmem:$0x1FDD0];
	_ =	sdelay $0x1  }
0x3ae: {  	[tilespmem:v60+s21+$0x0] =	vst.idx.msk $0xffff, v15  }
0x3af: {  	[tilespmem:v50+s21+$0x0] =	vst.idx.msk $0xffff, v47  }
0x3b0: {  	v51 =	vor.u32 v49, v8;
	v9 =	vld.idx.msk [tilespmem:v62+s17+$0x0], $0xffff;
	[tilespmem:v52+s21+$0x0] =	vst.idx.msk $0xffff, v10  }
0x3b1: {  	v54 =	vor.u32 v24, v4;
	v53 =	vor.u32 v33, v6;
	v30 =	vld [tilespmem:$0x1FDE0];
	_ =	sdelay $0x2  }
0x3b2: {  	v55 =	vld.idx.msk [tilespmem:v63+s17+$0x0], $0xffff;
	v60 =	vor.u32 v24, v3  }
0x3b3: {  	v8 =	vld.idx.msk [tilespmem:v51+s17+$0x0], $0xffff;
	v63 =	vor.u32 v24, v0  }
0x3b4: {  	v61 =	vor.u32 v33, v5;
	v10 =	vld.idx.msk [tilespmem:v53+s17+$0x0], $0xffff;
	[tilespmem:v54+s21+$0x0] =	vst.idx.msk $0xffff, v9;
	v47 =	vor.u32 v30, v7  }
0x3b5: {  	v57 =	vld [tilespmem:$0x1FDF0];
	_ =	sdelay $0x1  }
0x3b6: {  	[tilespmem:v60+s21+$0x0] =	vst.idx.msk $0xffff, v55  }
0x3b7: {  	v62 =	vor.u32 v33, v2;
	[tilespmem:v63+s21+$0x0] =	vst.idx.msk $0xffff, v8  }
0x3b8: {  	v34 =	vor.u32 v33, v1;
	v50 =	vld.idx.msk [tilespmem:v61+s17+$0x0], $0xffff;
	[tilespmem:v47+s21+$0x0] =	vst.idx.msk $0xffff, v10  }
0x3b9: {  	v51 =	vor.u32 v30, v4;
	v49 =	vor.u32 v57, v6;
	v63 =	vld [tilespmem:$0x1FE00];
	_ =	sdelay $0x2  }
0x3ba: {  	v14 =	vld.idx.msk [tilespmem:v62+s17+$0x0], $0xffff;
	v52 =	vor.u32 v30, v3  }
0x3bb: {  	v55 =	vld.idx.msk [tilespmem:v34+s17+$0x0], $0xffff;
	v56 =	vor.u32 v30, v0  }
0x3bc: {  	v53 =	vor.u32 v57, v5;
	v9 =	vld.idx.msk [tilespmem:v49+s17+$0x0], $0xffff;
	[tilespmem:v51+s21+$0x0] =	vst.idx.msk $0xffff, v50;
	v59 =	vor.u32 v63, v7  }
0x3bd: {  	v47 =	vld [tilespmem:$0x1FE10];
	_ =	sdelay $0x1  }
0x3be: {  	[tilespmem:v52+s21+$0x0] =	vst.idx.msk $0xffff, v14  }
0x3bf: {  	v54 =	vor.u32 v57, v2;
	[tilespmem:v56+s21+$0x0] =	vst.idx.msk $0xffff, v55  }
0x3c0: {  	v58 =	vor.u32 v57, v1;
	v12 =	vld.idx.msk [tilespmem:v53+s17+$0x0], $0xffff;
	[tilespmem:v59+s21+$0x0] =	vst.idx.msk $0xffff, v9  }
0x3c1: {  	v61 =	vor.u32 v63, v4;
	v60 =	vor.u32 v47, v6;
	v50 =	vld [tilespmem:$0x1FE20];
	_ =	sdelay $0x2  }
0x3c2: {  	v8 =	vld.idx.msk [tilespmem:v54+s17+$0x0], $0xffff;
	v62 =	vor.u32 v63, v3  }
0x3c3: {  	v17 =	vld.idx.msk [tilespmem:v58+s17+$0x0], $0xffff;
	v34 =	vor.u32 v63, v0  }
0x3c4: {  	v32 =	vor.u32 v47, v5;
	v9 =	vld.idx.msk [tilespmem:v60+s17+$0x0], $0xffff;
	[tilespmem:v61+s21+$0x0] =	vst.idx.msk $0xffff, v12;
	v56 =	vor.u32 v50, v7  }
0x3c5: {  	v52 =	vld [tilespmem:$0x1FE30];
	_ =	sdelay $0x1  }
0x3c6: {  	[tilespmem:v62+s21+$0x0] =	vst.idx.msk $0xffff, v8  }
0x3c7: {  	v33 =	vor.u32 v47, v2;
	[tilespmem:v34+s21+$0x0] =	vst.idx.msk $0xffff, v17  }
0x3c8: {  	v47 =	vor.u32 v47, v1;
	v58 =	vld.idx.msk [tilespmem:v32+s17+$0x0], $0xffff;
	[tilespmem:v56+s21+$0x0] =	vst.idx.msk $0xffff, v9  }
0x3c9: {  	v59 =	vor.u32 v50, v4;
	v57 =	vor.u32 v52, v6;
	v54 =	vld [tilespmem:$0x1FE40];
	_ =	sdelay $0x2  }
0x3ca: {  	v60 =	vld.idx.msk [tilespmem:v33+s17+$0x0], $0xffff;
	v61 =	vor.u32 v50, v3  }
0x3cb: {  	v17 =	vld.idx.msk [tilespmem:v47+s17+$0x0], $0xffff;
	v32 =	vor.u32 v50, v0  }
0x3cc: {  	v62 =	vor.u32 v52, v5;
	v9 =	vld.idx.msk [tilespmem:v57+s17+$0x0], $0xffff;
	[tilespmem:v59+s21+$0x0] =	vst.idx.msk $0xffff, v58;
	v34 =	vor.u32 v54, v7  }
0x3cd: {  	v56 =	vld [tilespmem:$0x1FE50];
	_ =	sdelay $0x1  }
0x3ce: {  	[tilespmem:v61+s21+$0x0] =	vst.idx.msk $0xffff, v60  }
0x3cf: {  	v63 =	vor.u32 v52, v2;
	[tilespmem:v32+s21+$0x0] =	vst.idx.msk $0xffff, v17  }
0x3d0: {  	v33 =	vor.u32 v52, v1;
	v49 =	vld.idx.msk [tilespmem:v62+s17+$0x0], $0xffff;
	[tilespmem:v34+s21+$0x0] =	vst.idx.msk $0xffff, v9  }
0x3d1: {  	v50 =	vor.u32 v54, v4;
	v47 =	vor.u32 v56, v6;
	v58 =	vld [tilespmem:$0x1FE60];
	_ =	sdelay $0x2  }
0x3d2: {  	v13 =	vld.idx.msk [tilespmem:v63+s17+$0x0], $0xffff;
	v51 =	vor.u32 v54, v3  }
0x3d3: {  	v17 =	vld.idx.msk [tilespmem:v33+s17+$0x0], $0xffff;
	v54 =	vor.u32 v54, v0  }
0x3d4: {  	v52 =	vor.u32 v56, v5;
	v8 =	vld.idx.msk [tilespmem:v47+s17+$0x0], $0xffff;
	[tilespmem:v50+s21+$0x0] =	vst.idx.msk $0xffff, v49;
	v59 =	vor.u32 v58, v7  }
0x3d5: {  	v60 =	vld [tilespmem:$0x1FE70];
	_ =	sdelay $0x1  }
0x3d6: {  	[tilespmem:v51+s21+$0x0] =	vst.idx.msk $0xffff, v13  }
0x3d7: {  	v53 =	vor.u32 v56, v2;
	[tilespmem:v54+s21+$0x0] =	vst.idx.msk $0xffff, v17  }
0x3d8: {  	v55 =	vor.u32 v56, v1;
	v11 =	vld.idx.msk [tilespmem:v52+s17+$0x0], $0xffff;
	[tilespmem:v59+s21+$0x0] =	vst.idx.msk $0xffff, v8  }
0x3d9: {  	v63 =	vor.u32 v58, v4;
	v62 =	vor.u32 v60, v6;
	v25 =	vld [tilespmem:$0x1FD50];
	_ =	sdelay $0x2  }
0x3da: {  	v13 =	vld.idx.msk [tilespmem:v53+s17+$0x0], $0xffff;
	v32 =	vor.u32 v58, v3  }
0x3db: {  	v17 =	vld.idx.msk [tilespmem:v55+s17+$0x0], $0xffff;
	v47 =	vor.u32 v58, v0  }
0x3dc: {  	v33 =	vor.u32 v60, v5;
	v8 =	vld.idx.msk [tilespmem:v62+s17+$0x0], $0xffff;
	[tilespmem:v63+s21+$0x0] =	vst.idx.msk $0xffff, v11;
	v50 =	vor.u32 v25, v7  }
0x3dd: {  	v53 =	vld [tilespmem:$0x1FD70];
	_ =	sdelay $0x1  }
0x3de: {  	[tilespmem:v32+s21+$0x0] =	vst.idx.msk $0xffff, v13  }
0x3df: {  	v34 =	vor.u32 v60, v2;
	[tilespmem:v47+s21+$0x0] =	vst.idx.msk $0xffff, v17  }
0x3e0: {  	v49 =	vor.u32 v60, v1;
	v11 =	vld.idx.msk [tilespmem:v33+s17+$0x0], $0xffff;
	[tilespmem:v50+s21+$0x0] =	vst.idx.msk $0xffff, v8  }
0x3e1: {  	v57 =	vor.u32 v25, v4;
	v56 =	vor.u32 v53, v6;
	v55 =	vld [tilespmem:$0x1FD60];
	_ =	sdelay $0x2  }
0x3e2: {  	v13 =	vld.idx.msk [tilespmem:v34+s17+$0x0], $0xffff;
	v58 =	vor.u32 v25, v3  }
0x3e3: {  	v17 =	vld.idx.msk [tilespmem:v49+s17+$0x0], $0xffff;
	v61 =	vor.u32 v25, v0  }
0x3e4: {  	v59 =	vor.u32 v53, v5;
	v8 =	vld.idx.msk [tilespmem:v56+s17+$0x0], $0xffff;
	[tilespmem:v57+s21+$0x0] =	vst.idx.msk $0xffff, v11;
	v63 =	vor.u32 v55, v7  }
0x3e5: {  	v32 =	vld [tilespmem:$0x1FD40]  }
0x3e6: {  	v60 =	vor.u32 v53, v2  }
0x3e7: {  	v62 =	vor.u32 v53, v1;
	[tilespmem:v58+s21+$0x0] =	vst.idx.msk $0xffff, v13  }
0x3e8: {  	[tilespmem:v61+s21+$0x0] =	vst.idx.msk $0xffff, v17  }
0x3e9: {  	v49 =	vld.idx.msk [tilespmem:v59+s17+$0x0], $0xffff;
	[tilespmem:v63+s21+$0x0] =	vst.idx.msk $0xffff, v8  }
0x3ea: {  	v50 =	vor.u32 v55, v4;
	v47 =	vor.u32 v32, v6;
	v8 =	vld [tilespmem:$0x1FD30]  }
0x3eb: {  	v51 =	vld.idx.msk [tilespmem:v60+s17+$0x0], $0xffff;
	v52 =	vor.u32 v55, v3;
	v53 =	vor.u32 v32, v5  }
0x3ec: {  	v56 =	vld.idx.msk [tilespmem:v62+s17+$0x0], $0xffff;
	v57 =	vor.u32 v55, v0;
	v54 =	vor.u32 v32, v2  }
0x3ed: {  	v58 =	vor.u32 v32, v1;
	_ =	sdelay $0x1  }
0x3ee: {  	v6 =	vld.idx.msk [tilespmem:v47+s17+$0x0], $0xffff;
	[tilespmem:v50+s21+$0x0] =	vst.idx.msk $0xffff, v49;
	v59 =	vor.u32 v8, v7  }
0x3ef: {  	[tilespmem:v52+s21+$0x0] =	vst.idx.msk $0xffff, v51;
	v5 =	vld.idx.msk [tilespmem:v53+s17+$0x0], $0xffff;
	v60 =	vor.u32 v8, v4  }
0x3f0: {  	[tilespmem:v57+s21+$0x0] =	vst.idx.msk $0xffff, v56;
	v2 =	vld.idx.msk [tilespmem:v54+s17+$0x0], $0xffff;
	v61 =	vor.u32 v8, v3  }
0x3f1: {  	v1 =	vld.idx.msk [tilespmem:v58+s17+$0x0], $0xffff;
	v62 =	vor.u32 v8, v0;
	_ =	sdelay $0x1  }
0x3f2: {  	[tilespmem:v59+s21+$0x0] =	vst.idx.msk $0xffff, v6  }
0x3f3: {  	[tilespmem:v60+s21+$0x0] =	vst.idx.msk $0xffff, v5  }
0x3f4: {  	[tilespmem:v61+s21+$0x0] =	vst.idx.msk $0xffff, v2  }
0x3f5: {  	[tilespmem:v62+s21+$0x0] =	vst.idx.msk $0xffff, v1  }
0x3f6: {  	v21 =	vld [tilespmem:$0x1FEA0]  }
0x3f7: {  	v22 =	vld [tilespmem:$0x1FF70]  }
0x3f8: {  	v33 =	vld [tilespmem:$0x1FF80]  }
0x3f9: {  	v34 =	vld [tilespmem:$0x1FF10]  }
0x3fa: {  	v47 =	vld [tilespmem:$0x1FF90]  }
0x3fb: {  	v4 =	vld [tilespmem:$0x1FF20]  }
0x3fc: {  	v49 =	vld [tilespmem:$0x1FFA0]  }
0x3fd: {  	v23 =	vld [tilespmem:$0x1FFB0]  }
0x3fe: {  	v28 =	vld [tilespmem:$0x1FFC0]  }
0x3ff: {  	v27 =	vld [tilespmem:$0x1FF30]  }
0x400: {  	v50 =	vld [tilespmem:$0x1FFD0]  }
0x401: {  	v52 =	vld [tilespmem:$0x1FF40]  }
0x402: {  	v53 =	vld [tilespmem:$0x1FFE0]  }
0x403: {  	v54 =	vld [tilespmem:$0x1FF50]  }
0x404: {  	s1 =	sadd.s32 s4, s26;
	v55 =	vld [tilespmem:$0x1FFF0]  }
.Ltmp8:
0x405: {  	s1 =	sshll.u32 s1, $0x10;
	v57 =	vld [tilespmem:$0x1FF60];
	(pc) =	sbr.rel .LBB2_10-.Ltmp8, $4  }
0x406: {  	s1 =	sor.u32 s10, s1;
	v63 =	vmov v48;
	v60 =	vld [tilespmem:$0x1FEB0]  }
0x407: {  	s1 =	sshrl.u32 s1, $0x3;
	v56 =	vld [tilespmem:$0x1FF00]  }
0x408: {  	s1 =	sadd.s32 s0, s1;
	v61 =	vld [tilespmem:$0x1FEC0]  }
0x409: {  	v63 =	vmov v63;
	[hbm4b:s1+s14] =	stream.strided.scatter [tilespmem:s21], [sflag:$0x2], $0x2000, s20, s14, $0x38;
	v58 =	vld [tilespmem:$0x1FEF0];
	v48 =	vmov v4  }
.LBB2_12:
0x40a: {  	_ =	sfence.sel $0x180000  }
0x40b: {  	[bflag:$0x0] =	sbarrier.arrive $0xFFFF  }
0x40c: {  	_ =	strace $0x90000047  }
0x40d: {  	[bflag:$0x2] =	sbarrier.arrive $0xFFFF  }
0x40e: {  	s0 =	rddreg [dreg:$0x3]  }
0x40f: {  	s0 =	sadd.s32 @!p0 $0x100000, s0  }
0x410: {  	[sflag:s0] =	ssyncadd.tile.s32 @!p0 $0x1;
	_ =	shalt  }
.Lfunc_end2:
_tile_overlayer_lowered:
.L_overlay_start_2:
0x411: {  	(tag) =	ssettag $0x2  }
0x412: {  	s0 =	rddreg [dreg:$0x0];
	s2 =	stileid.u32  }
0x413: {  	s1 =	rddreg [dreg:$0x1];
	p0 =	sne.s32 s2, $0x0  }
0x414: {  	s3 =	rddreg [dreg:$0x2];
	[bflag:$0x3] =	sbarrier.arrive $0xFFFF;
	s2 =	simm.s32 @!p0 $0x1C03  }
0x415: {  	[timem:s3], [sflag:s2] =	dma.local @!p0 [hbm:s0], s1  }
0x416: {  	s0 =	simm.s32 @!p0 $0x3  }
0x417: {  	_ =	swait.ge @!p0 [sflag:s0], s1  }
0x418: {  	s1 =	ssub.s32 @!p0 $0x0, s1;
	[sflag:s0] =	ssyncset.done @!p0 $0x0  }
0x419: {  	[sflag:s0] =	ssyncadd.s32 @!p0 s1  }
0x41a: {  	[bflag:$0x3] =	sbarrier.arrive $0xFFFF  }
0x41b: {  	_ =	shalt  }

</sc_bundles>
